<compile_context>
chip_gen: v7x
topology: tpu7x:2x2x1
jax: 0.10.2.dev20260603
libtpu: 0.0.44.dev20260713+nightly
codegen_flags: <defaults>
</compile_context>

<pallas_src>
import functools

import jax
import jax.numpy as jnp
from jax import lax
from jax.experimental import pallas as pl
from jax.experimental.pallas import tpu as pltpu
from jax.experimental.pallas import tpu_sc as plsc

NUM_EMB = 100
DIM = 50
PAD = 4
B0 = 16384
T = 200
NC, NS, L = 2, 16, 16
NW = NC * NS
TT = T // 8
BT = B0 // 128
NTILE = TT * BT
PER_W = NTILE // NW
NBUF = 2

_mesh = plsc.VectorSubcoreMesh(core_axis_name="c", subcore_axis_name="s")


@functools.partial(
    pl.kernel,
    mesh=_mesh,
    out_type=jax.ShapeDtypeStruct((DIM, T, B0), jnp.float32),
    scratch_types=[
        pltpu.VMEM((NUM_EMB * DIM,), jnp.float32),
        pltpu.VMEM((8, 128), jnp.int32),
        pltpu.VMEM((8, 128), jnp.int32),
        pltpu.VMEM((DIM, 8, 128), jnp.float32),
        pltpu.VMEM((DIM, 8, 128), jnp.float32),
        pltpu.SemaphoreType.DMA((NBUF,)),
        pltpu.SemaphoreType.DMA((NBUF,)),
    ],
    compiler_params=pltpu.CompilerParams(needs_layout_passes=False),
)
def _emb(idx_hbm, tab_hbm, out_hbm, tab_v, idx_v0, idx_v1, out_v0, out_v1,
         isem, osem):
    idx_bufs = (idx_v0, idx_v1)
    out_bufs = (out_v0, out_v1)
    wid = lax.axis_index("s") * NC + lax.axis_index("c")
    lane = lax.iota(jnp.int32, 16)

    pltpu.sync_copy(tab_hbm, tab_v)
    zero = jnp.zeros((16,), jnp.float32)
    for off in (0, 16, 32, 34):
        tab_v[pl.ds(PAD * DIM + off, 16)] = zero

    def tile_coords(k):
        tau = k * NW + wid
        tt = tau // BT
        bb = tau % BT
        return tt * 8, bb * 128

    def idx_slice(k):
        t0, b0 = tile_coords(k)
        return idx_hbm.at[pl.ds(t0, 8), pl.ds(b0, 128)]

    def out_slice(k):
        t0, b0 = tile_coords(k)
        return out_hbm.at[pl.ds(0, DIM), pl.ds(t0, 8), pl.ds(b0, 128)]

    for b in range(NBUF):
        pltpu.async_copy(idx_slice(b), idx_bufs[b], isem.at[b])

    def outer(cc, carry):
        for b in range(NBUF):
            k = cc * NBUF + b
            pltpu.make_async_copy(idx_slice(k), idx_bufs[b], isem.at[b]).wait()
            @pl.when(cc > 0)
            def _():
                pltpu.make_async_copy(out_bufs[b], out_slice(k), osem.at[b]).wait()

            def vec_body(j, carry2):
                r = j // 8
                cb = (j % 8) * 16
                rv = jnp.zeros((16,), jnp.int32) + r
                cv = cb + lane
                idx16 = plsc.load_gather(idx_bufs[b], [rv, cv])
                g = idx16 * DIM
                K = 6
                pipe = []
                for d in range(DIM):
                    pipe.append(plsc.load_gather(tab_v, [g]))
                    g = g + 1
                    if len(pipe) > K:
                        ds = d - K
                        dv = jnp.full((16,), ds, jnp.int32)
                        plsc.store_scatter(out_bufs[b], [dv, rv, cv], pipe.pop(0))
                for ds in range(DIM - K, DIM):
                    dv = jnp.full((16,), ds, jnp.int32)
                    plsc.store_scatter(out_bufs[b], [dv, rv, cv], pipe.pop(0))
                return carry2

            lax.fori_loop(0, 64, vec_body, 0)
            pltpu.async_copy(out_bufs[b], out_slice(k), osem.at[b])
            @pl.when(cc < PER_W // NBUF - 1)
            def _():
                pltpu.async_copy(idx_slice(k + NBUF), idx_bufs[b], isem.at[b])
        return carry

    lax.fori_loop(0, PER_W // NBUF, outer, 0)
    for b in range(NBUF):
        k = PER_W - NBUF + b
        pltpu.make_async_copy(out_bufs[b], out_slice(k), osem.at[b]).wait()


def kernel(indices, table):
    idx_t = indices.astype(jnp.int32).T
    tab = table.reshape(-1)
    out = _emb(idx_t, tab)
    return out.transpose(2, 1, 0)

# --- scband reference (transcript-rebuilt; emitter-appended) ---
"""Pipeline reference for scband-embedding-module-33981781246029 (READ-ONLY COPY).

The authoritative reference and input builder live on the scoring server;
editing this copy changes nothing except your own understanding.
"""

import jax, jax.numpy as jnp
import numpy as np

NUM_EMBEDDINGS = 100
EMBED_DIM = 50
PADDING_IDX = 4


def setup_inputs(seed: int = 0) -> dict:
    key = jax.random.key(seed)
    k_idx, k_tab = jax.random.split(key)
    indices = jax.random.randint(k_idx, (16384, 200), 0, NUM_EMBEDDINGS, dtype=jnp.int64)
    table = jax.random.normal(k_tab, (NUM_EMBEDDINGS, EMBED_DIM), dtype=jnp.float32)
    # padding_idx row is zeroed at init, matching torch.nn.Embedding(padding_idx=4)
    table = table.at[PADDING_IDX].set(0.0)
    return {"indices": indices, "table": table}


def reference(indices, table):
    # torch.nn.Embedding forward: gather rows of the table by index.
    # padding_idx row is zero (enforced at init / via mask for safety).
    mask = (jnp.arange(NUM_EMBEDDINGS) != PADDING_IDX).astype(table.dtype)[:, None]
    emb = table * mask
    return jnp.take(emb, indices, axis=0)

if __name__ == "__main__":
    import jax
    _d = setup_inputs()
    print(jax.jit(kernel)(*tuple(_d.values())))

</pallas_src>

<mosaic_0001>
#map = affine_map<(d0, d1) -> (0, 0)>
#map1 = affine_map<(d0, d1) -> (0)>
#map2 = affine_map<(d0, d1) -> (0, 0, 0)>
module attributes {stable_mosaic.version = 14 : i64} {
  func.func @_emb(%arg0: i32, %arg1: i32, %arg2: memref<200x16384xi32, #tpu.memory_space<hbm>>, %arg3: memref<5000xf32, #tpu.memory_space<hbm>>, %arg4: memref<50x200x16384xf32, #tpu.memory_space<hbm>>, %arg5: memref<5000xf32, #tpu.memory_space<vmem>>, %arg6: memref<8x128xi32, #tpu.memory_space<vmem>>, %arg7: memref<8x128xi32, #tpu.memory_space<vmem>>, %arg8: memref<50x8x128xf32, #tpu.memory_space<vmem>>, %arg9: memref<50x8x128xf32, #tpu.memory_space<vmem>>, %arg10: memref<2x!tpu.dma_semaphore, #tpu.memory_space<semaphore_mem>>, %arg11: memref<2x!tpu.dma_semaphore, #tpu.memory_space<semaphore_mem>>) attributes {dimension_semantics = [#tpu.dimension_semantics<core_parallel>, #tpu.dimension_semantics<subcore_parallel>], iteration_bounds = array<i64: 2, 16>, scalar_prefetch = 0 : i64, scratch_operands = 7 : i64, tpu.core_type = #tpu.core_type<sc_vector_subcore>, window_params = [{transform_indices = #map}, {transform_indices = #map1}, {transform_indices = #map2}]} {
    %mul3A = arith.constant 2 : i32
    %mul3A_0 = arith.muli %arg1, %mul3A : i32
    %add3A = arith.addi %mul3A_0, %arg0 : i32
    %iota3A = tpu.iota {dimensions = array<i32: 0>} : vector<16xi32>
    "tpu.region"() ({
      %run_scoped3A = tpu.sem_alloc : memref<!tpu.dma_semaphore, #tpu.memory_space<semaphore_mem>>
      tpu.enqueue_dma source(%arg3 : memref<5000xf32, #tpu.memory_space<hbm>>) target(%arg5 : memref<5000xf32, #tpu.memory_space<vmem>>) target_semaphore(%run_scoped3A : memref<!tpu.dma_semaphore, #tpu.memory_space<semaphore_mem>>)
      tpu.wait_dma2 semaphore(%run_scoped3A : memref<!tpu.dma_semaphore, #tpu.memory_space<semaphore_mem>>) src(%arg3 : memref<5000xf32, #tpu.memory_space<hbm>>) dst(%arg5 : memref<5000xf32, #tpu.memory_space<vmem>>)
      tpu.yield
    }) : () -> ()
    %broadcast_in_dim3A = arith.constant 0.000000e+00 : f32
    %broadcast_in_dim3A_1 = vector.broadcast %broadcast_in_dim3A : f32 to vector<16xf32>
    %swap3A = arith.constant 200 : index
    %swap3A_2 = tpu.vector_load %arg5[%swap3A] {strides = array<i32>} : memref<5000xf32, #tpu.memory_space<vmem>>, vector<16xf32>,
    tpu.vector_store %arg5[%swap3A], %broadcast_in_dim3A_1 {strides = array<i32>} : memref<5000xf32, #tpu.memory_space<vmem>>, vector<16xf32>,
    %swap3A_3 = arith.constant 216 : index
    %swap3A_4 = tpu.vector_load %arg5[%swap3A_3] {strides = array<i32>} : memref<5000xf32, #tpu.memory_space<vmem>>, vector<16xf32>,
    tpu.vector_store %arg5[%swap3A_3], %broadcast_in_dim3A_1 {strides = array<i32>} : memref<5000xf32, #tpu.memory_space<vmem>>, vector<16xf32>,
    %swap3A_5 = arith.constant 232 : index
    %swap3A_6 = tpu.vector_load %arg5[%swap3A_5] {strides = array<i32>} : memref<5000xf32, #tpu.memory_space<vmem>>, vector<16xf32>,
    tpu.vector_store %arg5[%swap3A_5], %broadcast_in_dim3A_1 {strides = array<i32>} : memref<5000xf32, #tpu.memory_space<vmem>>, vector<16xf32>,
    %swap3A_7 = arith.constant 234 : index
    %swap3A_8 = tpu.vector_load %arg5[%swap3A_7] {strides = array<i32>} : memref<5000xf32, #tpu.memory_space<vmem>>, vector<16xf32>,
    tpu.vector_store %arg5[%swap3A_7], %broadcast_in_dim3A_1 {strides = array<i32>} : memref<5000xf32, #tpu.memory_space<vmem>>, vector<16xf32>,
    %add3A_9 = arith.constant 0 : i32
    %add3A_10 = arith.addi %add3A_9, %add3A : i32
    %jit3A = arith.constant 128 : i32
    %div3A = arith.divsi %add3A_10, %jit3A : i32
    %sign3A = arith.constant 0 : i32
    %sign3A_11 = arith.cmpi sgt, %add3A_10, %sign3A : i32
    %sign3A_12 = arith.extui %sign3A_11 : i1 to i32
    %sign3A_13 = arith.constant 0 : i32
    %sign3A_14 = arith.cmpi slt, %add3A_10, %sign3A_13 : i32
    %sign3A_15 = arith.extui %sign3A_14 : i1 to i32
    %sign3A_16 = arith.subi %sign3A_12, %sign3A_15 : i32
    %sign3A_17 = arith.constant 0 : i32
    %sign3A_18 = arith.cmpi sgt, %jit3A, %sign3A_17 : i32
    %sign3A_19 = arith.extui %sign3A_18 : i1 to i32
    %sign3A_20 = arith.constant 0 : i32
    %sign3A_21 = arith.cmpi slt, %jit3A, %sign3A_20 : i32
    %sign3A_22 = arith.extui %sign3A_21 : i1 to i32
    %sign3A_23 = arith.subi %sign3A_19, %sign3A_22 : i32
    %ne3A = arith.cmpi ne, %sign3A_16, %sign3A_23 : i32
    %rem3A = arith.remsi %add3A_10, %jit3A : i32
    %ne3A_24 = arith.constant 0 : i32
    %ne3A_25 = arith.cmpi ne, %rem3A, %ne3A_24 : i32
    %and3A = arith.andi %ne3A, %ne3A_25 : i1
    %sub3A = arith.constant 1 : i32
    %sub3A_26 = arith.subi %div3A, %sub3A : i32
    %select_n3A = arith.select %and3A, %sub3A_26, %div3A : i32
    %jit3A_27 = arith.constant 128 : i32
    %eq3A = arith.constant 0 : i32
    %eq3A_28 = arith.cmpi eq, %jit3A_27, %eq3A : i32
    %jit3A_29 = arith.constant 1 : i32
    %select_n3A_30 = arith.select %eq3A_28, %jit3A_29, %jit3A_27 : i32
    %rem3A_31 = arith.remsi %add3A_10, %select_n3A_30 : i32
    %ne3A_32 = arith.constant 0 : i32
    %ne3A_33 = arith.cmpi ne, %rem3A_31, %ne3A_32 : i32
    %lt3A = arith.constant 0 : i32
    %lt3A_34 = arith.cmpi slt, %rem3A_31, %lt3A : i32
    %lt3A_35 = arith.constant 0 : i32
    %lt3A_36 = arith.cmpi slt, %select_n3A_30, %lt3A_35 : i32
    %ne3A_37 = arith.xori %lt3A_34, %lt3A_36 : i1
    %and3A_38 = arith.andi %ne3A_37, %ne3A_33 : i1
    %add3A_39 = arith.addi %rem3A_31, %select_n3A_30 : i32
    %select_n3A_40 = arith.select %and3A_38, %add3A_39, %rem3A_31 : i32
    %mul3A_41 = arith.constant 8 : i32
    %mul3A_42 = arith.muli %select_n3A, %mul3A_41 : i32
    %mul3A_43 = arith.constant 128 : i32
    %mul3A_44 = arith.muli %select_n3A_40, %mul3A_43 : i32
    %dma_start3A = arith.constant 0 : i32
    %dma_start3A_45 = tpu.memref_slice %arg2[%mul3A_42, %mul3A_44] : memref<200x16384xi32, #tpu.memory_space<hbm>> -> memref<8x128xi32, #tpu.memory_space<hbm>>
    %dma_start3A_46 = tpu.memref_slice %arg10[%dma_start3A] : memref<2x!tpu.dma_semaphore, #tpu.memory_space<semaphore_mem>> -> memref<1x!tpu.dma_semaphore, #tpu.memory_space<semaphore_mem>>
    %dma_start3A_47 = tpu.memref_squeeze %dma_start3A_46 : memref<1x!tpu.dma_semaphore, #tpu.memory_space<semaphore_mem>> -> memref<!tpu.dma_semaphore, #tpu.memory_space<semaphore_mem>>
    %dma_start3A_48 = tpu.memref_slice %arg2[%mul3A_42, %mul3A_44] : memref<200x16384xi32, #tpu.memory_space<hbm>> -> memref<8x128xi32, #tpu.memory_space<hbm>>
    tpu.enqueue_dma source(%dma_start3A_48 : memref<8x128xi32, #tpu.memory_space<hbm>>) target(%arg6 : memref<8x128xi32, #tpu.memory_space<vmem>>) target_semaphore(%dma_start3A_47 : memref<!tpu.dma_semaphore, #tpu.memory_space<semaphore_mem>>)
    %add3A_49 = arith.constant 32 : i32
    %add3A_50 = arith.addi %add3A_49, %add3A : i32
    %jit3A_51 = arith.constant 128 : i32
    %div3A_52 = arith.divsi %add3A_50, %jit3A_51 : i32
    %sign3A_53 = arith.constant 0 : i32
    %sign3A_54 = arith.cmpi sgt, %add3A_50, %sign3A_53 : i32
    %sign3A_55 = arith.extui %sign3A_54 : i1 to i32
    %sign3A_56 = arith.constant 0 : i32
    %sign3A_57 = arith.cmpi slt, %add3A_50, %sign3A_56 : i32
    %sign3A_58 = arith.extui %sign3A_57 : i1 to i32
    %sign3A_59 = arith.subi %sign3A_55, %sign3A_58 : i32
    %sign3A_60 = arith.constant 0 : i32
    %sign3A_61 = arith.cmpi sgt, %jit3A_51, %sign3A_60 : i32
    %sign3A_62 = arith.extui %sign3A_61 : i1 to i32
    %sign3A_63 = arith.constant 0 : i32
    %sign3A_64 = arith.cmpi slt, %jit3A_51, %sign3A_63 : i32
    %sign3A_65 = arith.extui %sign3A_64 : i1 to i32
    %sign3A_66 = arith.subi %sign3A_62, %sign3A_65 : i32
    %ne3A_67 = arith.cmpi ne, %sign3A_59, %sign3A_66 : i32
    %rem3A_68 = arith.remsi %add3A_50, %jit3A_51 : i32
    %ne3A_69 = arith.constant 0 : i32
    %ne3A_70 = arith.cmpi ne, %rem3A_68, %ne3A_69 : i32
    %and3A_71 = arith.andi %ne3A_67, %ne3A_70 : i1
    %sub3A_72 = arith.constant 1 : i32
    %sub3A_73 = arith.subi %div3A_52, %sub3A_72 : i32
    %select_n3A_74 = arith.select %and3A_71, %sub3A_73, %div3A_52 : i32
    %jit3A_75 = arith.constant 128 : i32
    %eq3A_76 = arith.constant 0 : i32
    %eq3A_77 = arith.cmpi eq, %jit3A_75, %eq3A_76 : i32
    %jit3A_78 = arith.constant 1 : i32
    %select_n3A_79 = arith.select %eq3A_77, %jit3A_78, %jit3A_75 : i32
    %rem3A_80 = arith.remsi %add3A_50, %select_n3A_79 : i32
    %ne3A_81 = arith.constant 0 : i32
    %ne3A_82 = arith.cmpi ne, %rem3A_80, %ne3A_81 : i32
    %lt3A_83 = arith.constant 0 : i32
    %lt3A_84 = arith.cmpi slt, %rem3A_80, %lt3A_83 : i32
    %lt3A_85 = arith.constant 0 : i32
    %lt3A_86 = arith.cmpi slt, %select_n3A_79, %lt3A_85 : i32
    %ne3A_87 = arith.xori %lt3A_84, %lt3A_86 : i1
    %and3A_88 = arith.andi %ne3A_87, %ne3A_82 : i1
    %add3A_89 = arith.addi %rem3A_80, %select_n3A_79 : i32
    %select_n3A_90 = arith.select %and3A_88, %add3A_89, %rem3A_80 : i32
    %mul3A_91 = arith.constant 8 : i32
    %mul3A_92 = arith.muli %select_n3A_74, %mul3A_91 : i32
    %mul3A_93 = arith.constant 128 : i32
    %mul3A_94 = arith.muli %select_n3A_90, %mul3A_93 : i32
    %dma_start3A_95 = arith.constant 1 : i32
    %dma_start3A_96 = tpu.memref_slice %arg2[%mul3A_92, %mul3A_94] : memref<200x16384xi32, #tpu.memory_space<hbm>> -> memref<8x128xi32, #tpu.memory_space<hbm>>
    %dma_start3A_97 = tpu.memref_slice %arg10[%dma_start3A_95] : memref<2x!tpu.dma_semaphore, #tpu.memory_space<semaphore_mem>> -> memref<1x!tpu.dma_semaphore, #tpu.memory_space<semaphore_mem>>
    %dma_start3A_98 = tpu.memref_squeeze %dma_start3A_97 : memref<1x!tpu.dma_semaphore, #tpu.memory_space<semaphore_mem>> -> memref<!tpu.dma_semaphore, #tpu.memory_space<semaphore_mem>>
    %dma_start3A_99 = tpu.memref_slice %arg2[%mul3A_92, %mul3A_94] : memref<200x16384xi32, #tpu.memory_space<hbm>> -> memref<8x128xi32, #tpu.memory_space<hbm>>
    tpu.enqueue_dma source(%dma_start3A_99 : memref<8x128xi32, #tpu.memory_space<hbm>>) target(%arg7 : memref<8x128xi32, #tpu.memory_space<vmem>>) target_semaphore(%dma_start3A_98 : memref<!tpu.dma_semaphore, #tpu.memory_space<semaphore_mem>>)
    %scan3A = arith.constant 0 : i32
    %scan3A_100 = arith.constant 0 : i32
    %scan3A_101 = arith.constant 50 : i32
    %scan3A_102 = arith.addi %scan3A_100, %scan3A_101 : i32
    %scan3A_103 = arith.constant 1 : i32
    scf.for %scan3A_210 = %scan3A_100 to %scan3A_102 step %scan3A_103  : i32 {
      %mul3A_211 = arith.constant 2 : i32
      %mul3A_212 = arith.muli %scan3A_210, %mul3A_211 : i32
      %add3A_213 = arith.constant 0 : i32
      %add3A_214 = arith.addi %mul3A_212, %add3A_213 : i32
      %mul3A_215 = arith.constant 32 : i32
      %mul3A_216 = arith.muli %add3A_214, %mul3A_215 : i32
      %add3A_217 = arith.addi %mul3A_216, %add3A : i32
      %jit3A_218 = arith.constant 128 : i32
      %div3A_219 = arith.divsi %add3A_217, %jit3A_218 : i32
      %sign3A_220 = arith.constant 0 : i32
      %sign3A_221 = arith.cmpi sgt, %add3A_217, %sign3A_220 : i32
      %sign3A_222 = arith.extui %sign3A_221 : i1 to i32
      %sign3A_223 = arith.constant 0 : i32
      %sign3A_224 = arith.cmpi slt, %add3A_217, %sign3A_223 : i32
      %sign3A_225 = arith.extui %sign3A_224 : i1 to i32
      %sign3A_226 = arith.subi %sign3A_222, %sign3A_225 : i32
      %sign3A_227 = arith.constant 0 : i32
      %sign3A_228 = arith.cmpi sgt, %jit3A_218, %sign3A_227 : i32
      %sign3A_229 = arith.extui %sign3A_228 : i1 to i32
      %sign3A_230 = arith.constant 0 : i32
      %sign3A_231 = arith.cmpi slt, %jit3A_218, %sign3A_230 : i32
      %sign3A_232 = arith.extui %sign3A_231 : i1 to i32
      %sign3A_233 = arith.subi %sign3A_229, %sign3A_232 : i32
      %ne3A_234 = arith.cmpi ne, %sign3A_226, %sign3A_233 : i32
      %rem3A_235 = arith.remsi %add3A_217, %jit3A_218 : i32
      %ne3A_236 = arith.constant 0 : i32
      %ne3A_237 = arith.cmpi ne, %rem3A_235, %ne3A_236 : i32
      %and3A_238 = arith.andi %ne3A_234, %ne3A_237 : i1
      %sub3A_239 = arith.constant 1 : i32
      %sub3A_240 = arith.subi %div3A_219, %sub3A_239 : i32
      %select_n3A_241 = arith.select %and3A_238, %sub3A_240, %div3A_219 : i32
      %jit3A_242 = arith.constant 128 : i32
      %eq3A_243 = arith.constant 0 : i32
      %eq3A_244 = arith.cmpi eq, %jit3A_242, %eq3A_243 : i32
      %jit3A_245 = arith.constant 1 : i32
      %select_n3A_246 = arith.select %eq3A_244, %jit3A_245, %jit3A_242 : i32
      %rem3A_247 = arith.remsi %add3A_217, %select_n3A_246 : i32
      %ne3A_248 = arith.constant 0 : i32
      %ne3A_249 = arith.cmpi ne, %rem3A_247, %ne3A_248 : i32
      %lt3A_250 = arith.constant 0 : i32
      %lt3A_251 = arith.cmpi slt, %rem3A_247, %lt3A_250 : i32
      %lt3A_252 = arith.constant 0 : i32
      %lt3A_253 = arith.cmpi slt, %select_n3A_246, %lt3A_252 : i32
      %ne3A_254 = arith.xori %lt3A_251, %lt3A_253 : i1
      %and3A_255 = arith.andi %ne3A_254, %ne3A_249 : i1
      %add3A_256 = arith.addi %rem3A_247, %select_n3A_246 : i32
      %select_n3A_257 = arith.select %and3A_255, %add3A_256, %rem3A_247 : i32
      %mul3A_258 = arith.constant 8 : i32
      %mul3A_259 = arith.muli %select_n3A_241, %mul3A_258 : i32
      %mul3A_260 = arith.constant 128 : i32
      %mul3A_261 = arith.muli %select_n3A_257, %mul3A_260 : i32
      %dma_wait3A_262 = arith.constant 0 : i32
      %dma_wait3A_263 = tpu.memref_slice %arg2[%mul3A_259, %mul3A_261] : memref<200x16384xi32, #tpu.memory_space<hbm>> -> memref<8x128xi32, #tpu.memory_space<hbm>>
      %dma_wait3A_264 = tpu.memref_slice %arg10[%dma_wait3A_262] : memref<2x!tpu.dma_semaphore, #tpu.memory_space<semaphore_mem>> -> memref<1x!tpu.dma_semaphore, #tpu.memory_space<semaphore_mem>>
      %dma_wait3A_265 = tpu.memref_squeeze %dma_wait3A_264 : memref<1x!tpu.dma_semaphore, #tpu.memory_space<semaphore_mem>> -> memref<!tpu.dma_semaphore, #tpu.memory_space<semaphore_mem>>
      %dma_wait3A_266 = tpu.memref_slice %arg2[%mul3A_259, %mul3A_261] : memref<200x16384xi32, #tpu.memory_space<hbm>> -> memref<8x128xi32, #tpu.memory_space<hbm>>
      tpu.wait_dma2 semaphore(%dma_wait3A_265 : memref<!tpu.dma_semaphore, #tpu.memory_space<semaphore_mem>>) src(%dma_wait3A_266 : memref<8x128xi32, #tpu.memory_space<hbm>>) dst(%arg6 : memref<8x128xi32, #tpu.memory_space<vmem>>)
      %gt3A = arith.constant 0 : i32
      %gt3A_267 = arith.cmpi sgt, %scan3A_210, %gt3A : i32
      %convert_element_type3A = arith.extui %gt3A_267 : i1 to i32
      %cond3A = arith.constant 0 : i32
      %cond3A_268 = arith.cmpi ne, %convert_element_type3A, %cond3A : i32
      scf.if %cond3A_268 {
        %mul3A_460 = arith.constant 32 : i32
        %mul3A_461 = arith.muli %add3A_214, %mul3A_460 : i32
        %add3A_462 = arith.addi %mul3A_461, %add3A : i32
        %jit3A_463 = arith.constant 128 : i32
        %div3A_464 = arith.divsi %add3A_462, %jit3A_463 : i32
        %sign3A_465 = arith.constant 0 : i32
        %sign3A_466 = arith.cmpi sgt, %add3A_462, %sign3A_465 : i32
        %sign3A_467 = arith.extui %sign3A_466 : i1 to i32
        %sign3A_468 = arith.constant 0 : i32
        %sign3A_469 = arith.cmpi slt, %add3A_462, %sign3A_468 : i32
        %sign3A_470 = arith.extui %sign3A_469 : i1 to i32
        %sign3A_471 = arith.subi %sign3A_467, %sign3A_470 : i32
        %sign3A_472 = arith.constant 0 : i32
        %sign3A_473 = arith.cmpi sgt, %jit3A_463, %sign3A_472 : i32
        %sign3A_474 = arith.extui %sign3A_473 : i1 to i32
        %sign3A_475 = arith.constant 0 : i32
        %sign3A_476 = arith.cmpi slt, %jit3A_463, %sign3A_475 : i32
        %sign3A_477 = arith.extui %sign3A_476 : i1 to i32
        %sign3A_478 = arith.subi %sign3A_474, %sign3A_477 : i32
        %ne3A_479 = arith.cmpi ne, %sign3A_471, %sign3A_478 : i32
        %rem3A_480 = arith.remsi %add3A_462, %jit3A_463 : i32
        %ne3A_481 = arith.constant 0 : i32
        %ne3A_482 = arith.cmpi ne, %rem3A_480, %ne3A_481 : i32
        %and3A_483 = arith.andi %ne3A_479, %ne3A_482 : i1
        %sub3A_484 = arith.constant 1 : i32
        %sub3A_485 = arith.subi %div3A_464, %sub3A_484 : i32
        %select_n3A_486 = arith.select %and3A_483, %sub3A_485, %div3A_464 : i32
        %jit3A_487 = arith.constant 128 : i32
        %eq3A_488 = arith.constant 0 : i32
        %eq3A_489 = arith.cmpi eq, %jit3A_487, %eq3A_488 : i32
        %jit3A_490 = arith.constant 1 : i32
        %select_n3A_491 = arith.select %eq3A_489, %jit3A_490, %jit3A_487 : i32
        %rem3A_492 = arith.remsi %add3A_462, %select_n3A_491 : i32
        %ne3A_493 = arith.constant 0 : i32
        %ne3A_494 = arith.cmpi ne, %rem3A_492, %ne3A_493 : i32
        %lt3A_495 = arith.constant 0 : i32
        %lt3A_496 = arith.cmpi slt, %rem3A_492, %lt3A_495 : i32
        %lt3A_497 = arith.constant 0 : i32
        %lt3A_498 = arith.cmpi slt, %select_n3A_491, %lt3A_497 : i32
        %ne3A_499 = arith.xori %lt3A_496, %lt3A_498 : i1
        %and3A_500 = arith.andi %ne3A_499, %ne3A_494 : i1
        %add3A_501 = arith.addi %rem3A_492, %select_n3A_491 : i32
        %select_n3A_502 = arith.select %and3A_500, %add3A_501, %rem3A_492 : i32
        %mul3A_503 = arith.constant 8 : i32
        %mul3A_504 = arith.muli %select_n3A_486, %mul3A_503 : i32
        %mul3A_505 = arith.constant 128 : i32
        %mul3A_506 = arith.muli %select_n3A_502, %mul3A_505 : i32
        %dma_wait3A_507 = arith.constant 0 : i32
        %dma_wait3A_508 = arith.constant 0 : i32
        %dma_wait3A_509 = tpu.memref_slice %arg4[%dma_wait3A_508, %mul3A_504, %mul3A_506] : memref<50x200x16384xf32, #tpu.memory_space<hbm>> -> memref<50x8x128xf32, #tpu.memory_space<hbm>>
        %dma_wait3A_510 = tpu.memref_slice %arg11[%dma_wait3A_507] : memref<2x!tpu.dma_semaphore, #tpu.memory_space<semaphore_mem>> -> memref<1x!tpu.dma_semaphore, #tpu.memory_space<semaphore_mem>>
        %dma_wait3A_511 = tpu.memref_squeeze %dma_wait3A_510 : memref<1x!tpu.dma_semaphore, #tpu.memory_space<semaphore_mem>> -> memref<!tpu.dma_semaphore, #tpu.memory_space<semaphore_mem>>
        %dma_wait3A_512 = arith.constant 0 : i32
        %dma_wait3A_513 = tpu.memref_slice %arg4[%dma_wait3A_512, %mul3A_504, %mul3A_506] : memref<50x200x16384xf32, #tpu.memory_space<hbm>> -> memref<50x8x128xf32, #tpu.memory_space<hbm>>
        tpu.wait_dma2 semaphore(%dma_wait3A_511 : memref<!tpu.dma_semaphore, #tpu.memory_space<semaphore_mem>>) src(%arg8 : memref<50x8x128xf32, #tpu.memory_space<vmem>>) dst(%dma_wait3A_513 : memref<50x8x128xf32, #tpu.memory_space<hbm>>)
      } else {
      }
      %scan3A_269 = arith.constant 0 : i32
      %scan3A_270 = arith.constant 0 : i32
      %scan3A_271 = arith.constant 64 : i32
      %scan3A_272 = arith.addi %scan3A_270, %scan3A_271 : i32
      %scan3A_273 = arith.constant 1 : i32
      scf.for %scan3A_460 = %scan3A_270 to %scan3A_272 step %scan3A_273  : i32 {
        %jit3A_461 = arith.constant 8 : i32
        %div3A_462 = arith.divsi %scan3A_460, %jit3A_461 : i32
        %sign3A_463 = arith.constant 0 : i32
        %sign3A_464 = arith.cmpi sgt, %scan3A_460, %sign3A_463 : i32
        %sign3A_465 = arith.extui %sign3A_464 : i1 to i32
        %sign3A_466 = arith.constant 0 : i32
        %sign3A_467 = arith.cmpi slt, %scan3A_460, %sign3A_466 : i32
        %sign3A_468 = arith.extui %sign3A_467 : i1 to i32
        %sign3A_469 = arith.subi %sign3A_465, %sign3A_468 : i32
        %sign3A_470 = arith.constant 0 : i32
        %sign3A_471 = arith.cmpi sgt, %jit3A_461, %sign3A_470 : i32
        %sign3A_472 = arith.extui %sign3A_471 : i1 to i32
        %sign3A_473 = arith.constant 0 : i32
        %sign3A_474 = arith.cmpi slt, %jit3A_461, %sign3A_473 : i32
        %sign3A_475 = arith.extui %sign3A_474 : i1 to i32
        %sign3A_476 = arith.subi %sign3A_472, %sign3A_475 : i32
        %ne3A_477 = arith.cmpi ne, %sign3A_469, %sign3A_476 : i32
        %rem3A_478 = arith.remsi %scan3A_460, %jit3A_461 : i32
        %ne3A_479 = arith.constant 0 : i32
        %ne3A_480 = arith.cmpi ne, %rem3A_478, %ne3A_479 : i32
        %and3A_481 = arith.andi %ne3A_477, %ne3A_480 : i1
        %sub3A_482 = arith.constant 1 : i32
        %sub3A_483 = arith.subi %div3A_462, %sub3A_482 : i32
        %select_n3A_484 = arith.select %and3A_481, %sub3A_483, %div3A_462 : i32
        %jit3A_485 = arith.constant 8 : i32
        %eq3A_486 = arith.constant 0 : i32
        %eq3A_487 = arith.cmpi eq, %jit3A_485, %eq3A_486 : i32
        %jit3A_488 = arith.constant 1 : i32
        %select_n3A_489 = arith.select %eq3A_487, %jit3A_488, %jit3A_485 : i32
        %rem3A_490 = arith.remsi %scan3A_460, %select_n3A_489 : i32
        %ne3A_491 = arith.constant 0 : i32
        %ne3A_492 = arith.cmpi ne, %rem3A_490, %ne3A_491 : i32
        %lt3A_493 = arith.constant 0 : i32
        %lt3A_494 = arith.cmpi slt, %rem3A_490, %lt3A_493 : i32
        %lt3A_495 = arith.constant 0 : i32
        %lt3A_496 = arith.cmpi slt, %select_n3A_489, %lt3A_495 : i32
        %ne3A_497 = arith.xori %lt3A_494, %lt3A_496 : i1
        %and3A_498 = arith.andi %ne3A_497, %ne3A_492 : i1
        %add3A_499 = arith.addi %rem3A_490, %select_n3A_489 : i32
        %select_n3A_500 = arith.select %and3A_498, %add3A_499, %rem3A_490 : i32
        %mul3A_501 = arith.constant 16 : i32
        %mul3A_502 = arith.muli %select_n3A_500, %mul3A_501 : i32
        %broadcast_in_dim3A_503 = arith.constant 0 : i32
        %broadcast_in_dim3A_504 = vector.broadcast %broadcast_in_dim3A_503 : i32 to vector<16xi32>
        %add3A_505 = vector.broadcast %select_n3A_484 : i32 to vector<16xi32>
        %add3A_506 = arith.addi %broadcast_in_dim3A_504, %add3A_505 : vector<16xi32>
        %add3A_507 = vector.broadcast %mul3A_502 : i32 to vector<16xi32>
        %add3A_508 = arith.addi %add3A_507, %iota3A : vector<16xi32>
        %gather3A = tpu.vector_load_idx %arg6[%add3A_506, %add3A_508] : memref<8x128xi32, #tpu.memory_space<vmem>>[vector<16xi32>, vector<16xi32>], vector<16xi32>,
        %mul3A_509 = arith.constant 50 : i32
        %mul3A_510 = vector.broadcast %mul3A_509 : i32 to vector<16xi32>
        %mul3A_511 = arith.muli %gather3A, %mul3A_510 : vector<16xi32>
        %gather3A_512 = tpu.vector_load_idx %arg5[%mul3A_511] : memref<5000xf32, #tpu.memory_space<vmem>>[vector<16xi32>], vector<16xf32>,
        %add3A_513 = arith.constant 1 : i32
        %add3A_514 = vector.broadcast %add3A_513 : i32 to vector<16xi32>
        %add3A_515 = arith.addi %mul3A_511, %add3A_514 : vector<16xi32>
        %gather3A_516 = tpu.vector_load_idx %arg5[%add3A_515] : memref<5000xf32, #tpu.memory_space<vmem>>[vector<16xi32>], vector<16xf32>,
        %add3A_517 = arith.constant 1 : i32
        %add3A_518 = vector.broadcast %add3A_517 : i32 to vector<16xi32>
        %add3A_519 = arith.addi %add3A_515, %add3A_518 : vector<16xi32>
        %gather3A_520 = tpu.vector_load_idx %arg5[%add3A_519] : memref<5000xf32, #tpu.memory_space<vmem>>[vector<16xi32>], vector<16xf32>,
        %add3A_521 = arith.constant 1 : i32
        %add3A_522 = vector.broadcast %add3A_521 : i32 to vector<16xi32>
        %add3A_523 = arith.addi %add3A_519, %add3A_522 : vector<16xi32>
        %gather3A_524 = tpu.vector_load_idx %arg5[%add3A_523] : memref<5000xf32, #tpu.memory_space<vmem>>[vector<16xi32>], vector<16xf32>,
        %add3A_525 = arith.constant 1 : i32
        %add3A_526 = vector.broadcast %add3A_525 : i32 to vector<16xi32>
        %add3A_527 = arith.addi %add3A_523, %add3A_526 : vector<16xi32>
        %gather3A_528 = tpu.vector_load_idx %arg5[%add3A_527] : memref<5000xf32, #tpu.memory_space<vmem>>[vector<16xi32>], vector<16xf32>,
        %add3A_529 = arith.constant 1 : i32
        %add3A_530 = vector.broadcast %add3A_529 : i32 to vector<16xi32>
        %add3A_531 = arith.addi %add3A_527, %add3A_530 : vector<16xi32>
        %gather3A_532 = tpu.vector_load_idx %arg5[%add3A_531] : memref<5000xf32, #tpu.memory_space<vmem>>[vector<16xi32>], vector<16xf32>,
        %add3A_533 = arith.constant 1 : i32
        %add3A_534 = vector.broadcast %add3A_533 : i32 to vector<16xi32>
        %add3A_535 = arith.addi %add3A_531, %add3A_534 : vector<16xi32>
        %gather3A_536 = tpu.vector_load_idx %arg5[%add3A_535] : memref<5000xf32, #tpu.memory_space<vmem>>[vector<16xi32>], vector<16xf32>,
        %add3A_537 = arith.constant 1 : i32
        %add3A_538 = vector.broadcast %add3A_537 : i32 to vector<16xi32>
        %add3A_539 = arith.addi %add3A_535, %add3A_538 : vector<16xi32>
        %broadcast_in_dim3A_540 = arith.constant 0 : i32
        %broadcast_in_dim3A_541 = vector.broadcast %broadcast_in_dim3A_540 : i32 to vector<16xi32>
        tpu.vector_store_idx %arg8[%broadcast_in_dim3A_541, %add3A_506, %add3A_508], %gather3A_512 : memref<50x8x128xf32, #tpu.memory_space<vmem>>[vector<16xi32>, vector<16xi32>, vector<16xi32>], vector<16xf32>,
        %gather3A_542 = tpu.vector_load_idx %arg5[%add3A_539] : memref<5000xf32, #tpu.memory_space<vmem>>[vector<16xi32>], vector<16xf32>,
        %add3A_543 = arith.constant 1 : i32
        %add3A_544 = vector.broadcast %add3A_543 : i32 to vector<16xi32>
        %add3A_545 = arith.addi %add3A_539, %add3A_544 : vector<16xi32>
        %broadcast_in_dim3A_546 = arith.constant 1 : i32
        %broadcast_in_dim3A_547 = vector.broadcast %broadcast_in_dim3A_546 : i32 to vector<16xi32>
        tpu.vector_store_idx %arg8[%broadcast_in_dim3A_547, %add3A_506, %add3A_508], %gather3A_516 : memref<50x8x128xf32, #tpu.memory_space<vmem>>[vector<16xi32>, vector<16xi32>, vector<16xi32>], vector<16xf32>,
        %gather3A_548 = tpu.vector_load_idx %arg5[%add3A_545] : memref<5000xf32, #tpu.memory_space<vmem>>[vector<16xi32>], vector<16xf32>,
        %add3A_549 = arith.constant 1 : i32
        %add3A_550 = vector.broadcast %add3A_549 : i32 to vector<16xi32>
        %add3A_551 = arith.addi %add3A_545, %add3A_550 : vector<16xi32>
        %broadcast_in_dim3A_552 = arith.constant 2 : i32
        %broadcast_in_dim3A_553 = vector.broadcast %broadcast_in_dim3A_552 : i32 to vector<16xi32>
        tpu.vector_store_idx %arg8[%broadcast_in_dim3A_553, %add3A_506, %add3A_508], %gather3A_520 : memref<50x8x128xf32, #tpu.memory_space<vmem>>[vector<16xi32>, vector<16xi32>, vector<16xi32>], vector<16xf32>,
        %gather3A_554 = tpu.vector_load_idx %arg5[%add3A_551] : memref<5000xf32, #tpu.memory_space<vmem>>[vector<16xi32>], vector<16xf32>,
        %add3A_555 = arith.constant 1 : i32
        %add3A_556 = vector.broadcast %add3A_555 : i32 to vector<16xi32>
        %add3A_557 = arith.addi %add3A_551, %add3A_556 : vector<16xi32>
        %broadcast_in_dim3A_558 = arith.constant 3 : i32
        %broadcast_in_dim3A_559 = vector.broadcast %broadcast_in_dim3A_558 : i32 to vector<16xi32>
        tpu.vector_store_idx %arg8[%broadcast_in_dim3A_559, %add3A_506, %add3A_508], %gather3A_524 : memref<50x8x128xf32, #tpu.memory_space<vmem>>[vector<16xi32>, vector<16xi32>, vector<16xi32>], vector<16xf32>,
        %gather3A_560 = tpu.vector_load_idx %arg5[%add3A_557] : memref<5000xf32, #tpu.memory_space<vmem>>[vector<16xi32>], vector<16xf32>,
        %add3A_561 = arith.constant 1 : i32
        %add3A_562 = vector.broadcast %add3A_561 : i32 to vector<16xi32>
        %add3A_563 = arith.addi %add3A_557, %add3A_562 : vector<16xi32>
        %broadcast_in_dim3A_564 = arith.constant 4 : i32
        %broadcast_in_dim3A_565 = vector.broadcast %broadcast_in_dim3A_564 : i32 to vector<16xi32>
        tpu.vector_store_idx %arg8[%broadcast_in_dim3A_565, %add3A_506, %add3A_508], %gather3A_528 : memref<50x8x128xf32, #tpu.memory_space<vmem>>[vector<16xi32>, vector<16xi32>, vector<16xi32>], vector<16xf32>,
        %gather3A_566 = tpu.vector_load_idx %arg5[%add3A_563] : memref<5000xf32, #tpu.memory_space<vmem>>[vector<16xi32>], vector<16xf32>,
        %add3A_567 = arith.constant 1 : i32
        %add3A_568 = vector.broadcast %add3A_567 : i32 to vector<16xi32>
        %add3A_569 = arith.addi %add3A_563, %add3A_568 : vector<16xi32>
        %broadcast_in_dim3A_570 = arith.constant 5 : i32
        %broadcast_in_dim3A_571 = vector.broadcast %broadcast_in_dim3A_570 : i32 to vector<16xi32>
        tpu.vector_store_idx %arg8[%broadcast_in_dim3A_571, %add3A_506, %add3A_508], %gather3A_532 : memref<50x8x128xf32, #tpu.memory_space<vmem>>[vector<16xi32>, vector<16xi32>, vector<16xi32>], vector<16xf32>,
        %gather3A_572 = tpu.vector_load_idx %arg5[%add3A_569] : memref<5000xf32, #tpu.memory_space<vmem>>[vector<16xi32>], vector<16xf32>,
        %add3A_573 = arith.constant 1 : i32
        %add3A_574 = vector.broadcast %add3A_573 : i32 to vector<16xi32>
        %add3A_575 = arith.addi %add3A_569, %add3A_574 : vector<16xi32>
        %broadcast_in_dim3A_576 = arith.constant 6 : i32
        %broadcast_in_dim3A_577 = vector.broadcast %broadcast_in_dim3A_576 : i32 to vector<16xi32>
        tpu.vector_store_idx %arg8[%broadcast_in_dim3A_577, %add3A_506, %add3A_508], %gather3A_536 : memref<50x8x128xf32, #tpu.memory_space<vmem>>[vector<16xi32>, vector<16xi32>, vector<16xi32>], vector<16xf32>,
        %gather3A_578 = tpu.vector_load_idx %arg5[%add3A_575] : memref<5000xf32, #tpu.memory_space<vmem>>[vector<16xi32>], vector<16xf32>,
        %add3A_579 = arith.constant 1 : i32
        %add3A_580 = vector.broadcast %add3A_579 : i32 to vector<16xi32>
        %add3A_581 = arith.addi %add3A_575, %add3A_580 : vector<16xi32>
        %broadcast_in_dim3A_582 = arith.constant 7 : i32
        %broadcast_in_dim3A_583 = vector.broadcast %broadcast_in_dim3A_582 : i32 to vector<16xi32>
        tpu.vector_store_idx %arg8[%broadcast_in_dim3A_583, %add3A_506, %add3A_508], %gather3A_542 : memref<50x8x128xf32, #tpu.memory_space<vmem>>[vector<16xi32>, vector<16xi32>, vector<16xi32>], vector<16xf32>,
        %gather3A_584 = tpu.vector_load_idx %arg5[%add3A_581] : memref<5000xf32, #tpu.memory_space<vmem>>[vector<16xi32>], vector<16xf32>,
        %add3A_585 = arith.constant 1 : i32
        %add3A_586 = vector.broadcast %add3A_585 : i32 to vector<16xi32>
        %add3A_587 = arith.addi %add3A_581, %add3A_586 : vector<16xi32>
        %broadcast_in_dim3A_588 = arith.constant 8 : i32
        %broadcast_in_dim3A_589 = vector.broadcast %broadcast_in_dim3A_588 : i32 to vector<16xi32>
        tpu.vector_store_idx %arg8[%broadcast_in_dim3A_589, %add3A_506, %add3A_508], %gather3A_548 : memref<50x8x128xf32, #tpu.memory_space<vmem>>[vector<16xi32>, vector<16xi32>, vector<16xi32>], vector<16xf32>,
        %gather3A_590 = tpu.vector_load_idx %arg5[%add3A_587] : memref<5000xf32, #tpu.memory_space<vmem>>[vector<16xi32>], vector<16xf32>,
        %add3A_591 = arith.constant 1 : i32
        %add3A_592 = vector.broadcast %add3A_591 : i32 to vector<16xi32>
        %add3A_593 = arith.addi %add3A_587, %add3A_592 : vector<16xi32>
        %broadcast_in_dim3A_594 = arith.constant 9 : i32
        %broadcast_in_dim3A_595 = vector.broadcast %broadcast_in_dim3A_594 : i32 to vector<16xi32>
        tpu.vector_store_idx %arg8[%broadcast_in_dim3A_595, %add3A_506, %add3A_508], %gather3A_554 : memref<50x8x128xf32, #tpu.memory_space<vmem>>[vector<16xi32>, vector<16xi32>, vector<16xi32>], vector<16xf32>,
        %gather3A_596 = tpu.vector_load_idx %arg5[%add3A_593] : memref<5000xf32, #tpu.memory_space<vmem>>[vector<16xi32>], vector<16xf32>,
        %add3A_597 = arith.constant 1 : i32
        %add3A_598 = vector.broadcast %add3A_597 : i32 to vector<16xi32>
        %add3A_599 = arith.addi %add3A_593, %add3A_598 : vector<16xi32>
        %broadcast_in_dim3A_600 = arith.constant 10 : i32
        %broadcast_in_dim3A_601 = vector.broadcast %broadcast_in_dim3A_600 : i32 to vector<16xi32>
        tpu.vector_store_idx %arg8[%broadcast_in_dim3A_601, %add3A_506, %add3A_508], %gather3A_560 : memref<50x8x128xf32, #tpu.memory_space<vmem>>[vector<16xi32>, vector<16xi32>, vector<16xi32>], vector<16xf32>,
        %gather3A_602 = tpu.vector_load_idx %arg5[%add3A_599] : memref<5000xf32, #tpu.memory_space<vmem>>[vector<16xi32>], vector<16xf32>,
        %add3A_603 = arith.constant 1 : i32
        %add3A_604 = vector.broadcast %add3A_603 : i32 to vector<16xi32>
        %add3A_605 = arith.addi %add3A_599, %add3A_604 : vector<16xi32>
        %broadcast_in_dim3A_606 = arith.constant 11 : i32
        %broadcast_in_dim3A_607 = vector.broadcast %broadcast_in_dim3A_606 : i32 to vector<16xi32>
        tpu.vector_store_idx %arg8[%broadcast_in_dim3A_607, %add3A_506, %add3A_508], %gather3A_566 : memref<50x8x128xf32, #tpu.memory_space<vmem>>[vector<16xi32>, vector<16xi32>, vector<16xi32>], vector<16xf32>,
        %gather3A_608 = tpu.vector_load_idx %arg5[%add3A_605] : memref<5000xf32, #tpu.memory_space<vmem>>[vector<16xi32>], vector<16xf32>,
        %add3A_609 = arith.constant 1 : i32
        %add3A_610 = vector.broadcast %add3A_609 : i32 to vector<16xi32>
        %add3A_611 = arith.addi %add3A_605, %add3A_610 : vector<16xi32>
        %broadcast_in_dim3A_612 = arith.constant 12 : i32
        %broadcast_in_dim3A_613 = vector.broadcast %broadcast_in_dim3A_612 : i32 to vector<16xi32>
        tpu.vector_store_idx %arg8[%broadcast_in_dim3A_613, %add3A_506, %add3A_508], %gather3A_572 : memref<50x8x128xf32, #tpu.memory_space<vmem>>[vector<16xi32>, vector<16xi32>, vector<16xi32>], vector<16xf32>,
        %gather3A_614 = tpu.vector_load_idx %arg5[%add3A_611] : memref<5000xf32, #tpu.memory_space<vmem>>[vector<16xi32>], vector<16xf32>,
        %add3A_615 = arith.constant 1 : i32
        %add3A_616 = vector.broadcast %add3A_615 : i32 to vector<16xi32>
        %add3A_617 = arith.addi %add3A_611, %add3A_616 : vector<16xi32>
        %broadcast_in_dim3A_618 = arith.constant 13 : i32
        %broadcast_in_dim3A_619 = vector.broadcast %broadcast_in_dim3A_618 : i32 to vector<16xi32>
        tpu.vector_store_idx %arg8[%broadcast_in_dim3A_619, %add3A_506, %add3A_508], %gather3A_578 : memref<50x8x128xf32, #tpu.memory_space<vmem>>[vector<16xi32>, vector<16xi32>, vector<16xi32>], vector<16xf32>,
        %gather3A_620 = tpu.vector_load_idx %arg5[%add3A_617] : memref<5000xf32, #tpu.memory_space<vmem>>[vector<16xi32>], vector<16xf32>,
        %add3A_621 = arith.constant 1 : i32
        %add3A_622 = vector.broadcast %add3A_621 : i32 to vector<16xi32>
        %add3A_623 = arith.addi %add3A_617, %add3A_622 : vector<16xi32>
        %broadcast_in_dim3A_624 = arith.constant 14 : i32
        %broadcast_in_dim3A_625 = vector.broadcast %broadcast_in_dim3A_624 : i32 to vector<16xi32>
        tpu.vector_store_idx %arg8[%broadcast_in_dim3A_625, %add3A_506, %add3A_508], %gather3A_584 : memref<50x8x128xf32, #tpu.memory_space<vmem>>[vector<16xi32>, vector<16xi32>, vector<16xi32>], vector<16xf32>,
        %gather3A_626 = tpu.vector_load_idx %arg5[%add3A_623] : memref<5000xf32, #tpu.memory_space<vmem>>[vector<16xi32>], vector<16xf32>,
        %add3A_627 = arith.constant 1 : i32
        %add3A_628 = vector.broadcast %add3A_627 : i32 to vector<16xi32>
        %add3A_629 = arith.addi %add3A_623, %add3A_628 : vector<16xi32>
        %broadcast_in_dim3A_630 = arith.constant 15 : i32
        %broadcast_in_dim3A_631 = vector.broadcast %broadcast_in_dim3A_630 : i32 to vector<16xi32>
        tpu.vector_store_idx %arg8[%broadcast_in_dim3A_631, %add3A_506, %add3A_508], %gather3A_590 : memref<50x8x128xf32, #tpu.memory_space<vmem>>[vector<16xi32>, vector<16xi32>, vector<16xi32>], vector<16xf32>,
        %gather3A_632 = tpu.vector_load_idx %arg5[%add3A_629] : memref<5000xf32, #tpu.memory_space<vmem>>[vector<16xi32>], vector<16xf32>,
        %add3A_633 = arith.constant 1 : i32
        %add3A_634 = vector.broadcast %add3A_633 : i32 to vector<16xi32>
        %add3A_635 = arith.addi %add3A_629, %add3A_634 : vector<16xi32>
        %broadcast_in_dim3A_636 = arith.constant 16 : i32
        %broadcast_in_dim3A_637 = vector.broadcast %broadcast_in_dim3A_636 : i32 to vector<16xi32>
        tpu.vector_store_idx %arg8[%broadcast_in_dim3A_637, %add3A_506, %add3A_508], %gather3A_596 : memref<50x8x128xf32, #tpu.memory_space<vmem>>[vector<16xi32>, vector<16xi32>, vector<16xi32>], vector<16xf32>,
        %gather3A_638 = tpu.vector_load_idx %arg5[%add3A_635] : memref<5000xf32, #tpu.memory_space<vmem>>[vector<16xi32>], vector<16xf32>,
        %add3A_639 = arith.constant 1 : i32
        %add3A_640 = vector.broadcast %add3A_639 : i32 to vector<16xi32>
        %add3A_641 = arith.addi %add3A_635, %add3A_640 : vector<16xi32>
        %broadcast_in_dim3A_642 = arith.constant 17 : i32
        %broadcast_in_dim3A_643 = vector.broadcast %broadcast_in_dim3A_642 : i32 to vector<16xi32>
        tpu.vector_store_idx %arg8[%broadcast_in_dim3A_643, %add3A_506, %add3A_508], %gather3A_602 : memref<50x8x128xf32, #tpu.memory_space<vmem>>[vector<16xi32>, vector<16xi32>, vector<16xi32>], vector<16xf32>,
        %gather3A_644 = tpu.vector_load_idx %arg5[%add3A_641] : memref<5000xf32, #tpu.memory_space<vmem>>[vector<16xi32>], vector<16xf32>,
        %add3A_645 = arith.constant 1 : i32
        %add3A_646 = vector.broadcast %add3A_645 : i32 to vector<16xi32>
        %add3A_647 = arith.addi %add3A_641, %add3A_646 : vector<16xi32>
        %broadcast_in_dim3A_648 = arith.constant 18 : i32
        %broadcast_in_dim3A_649 = vector.broadcast %broadcast_in_dim3A_648 : i32 to vector<16xi32>
        tpu.vector_store_idx %arg8[%broadcast_in_dim3A_649, %add3A_506, %add3A_508], %gather3A_608 : memref<50x8x128xf32, #tpu.memory_space<vmem>>[vector<16xi32>, vector<16xi32>, vector<16xi32>], vector<16xf32>,
        %gather3A_650 = tpu.vector_load_idx %arg5[%add3A_647] : memref<5000xf32, #tpu.memory_space<vmem>>[vector<16xi32>], vector<16xf32>,
        %add3A_651 = arith.constant 1 : i32
        %add3A_652 = vector.broadcast %add3A_651 : i32 to vector<16xi32>
        %add3A_653 = arith.addi %add3A_647, %add3A_652 : vector<16xi32>
        %broadcast_in_dim3A_654 = arith.constant 19 : i32
        %broadcast_in_dim3A_655 = vector.broadcast %broadcast_in_dim3A_654 : i32 to vector<16xi32>
        tpu.vector_store_idx %arg8[%broadcast_in_dim3A_655, %add3A_506, %add3A_508], %gather3A_614 : memref<50x8x128xf32, #tpu.memory_space<vmem>>[vector<16xi32>, vector<16xi32>, vector<16xi32>], vector<16xf32>,
        %gather3A_656 = tpu.vector_load_idx %arg5[%add3A_653] : memref<5000xf32, #tpu.memory_space<vmem>>[vector<16xi32>], vector<16xf32>,
        %add3A_657 = arith.constant 1 : i32
        %add3A_658 = vector.broadcast %add3A_657 : i32 to vector<16xi32>
        %add3A_659 = arith.addi %add3A_653, %add3A_658 : vector<16xi32>
        %broadcast_in_dim3A_660 = arith.constant 20 : i32
        %broadcast_in_dim3A_661 = vector.broadcast %broadcast_in_dim3A_660 : i32 to vector<16xi32>
        tpu.vector_store_idx %arg8[%broadcast_in_dim3A_661, %add3A_506, %add3A_508], %gather3A_620 : memref<50x8x128xf32, #tpu.memory_space<vmem>>[vector<16xi32>, vector<16xi32>, vector<16xi32>], vector<16xf32>,
        %gather3A_662 = tpu.vector_load_idx %arg5[%add3A_659] : memref<5000xf32, #tpu.memory_space<vmem>>[vector<16xi32>], vector<16xf32>,
        %add3A_663 = arith.constant 1 : i32
        %add3A_664 = vector.broadcast %add3A_663 : i32 to vector<16xi32>
        %add3A_665 = arith.addi %add3A_659, %add3A_664 : vector<16xi32>
        %broadcast_in_dim3A_666 = arith.constant 21 : i32
        %broadcast_in_dim3A_667 = vector.broadcast %broadcast_in_dim3A_666 : i32 to vector<16xi32>
        tpu.vector_store_idx %arg8[%broadcast_in_dim3A_667, %add3A_506, %add3A_508], %gather3A_626 : memref<50x8x128xf32, #tpu.memory_space<vmem>>[vector<16xi32>, vector<16xi32>, vector<16xi32>], vector<16xf32>,
        %gather3A_668 = tpu.vector_load_idx %arg5[%add3A_665] : memref<5000xf32, #tpu.memory_space<vmem>>[vector<16xi32>], vector<16xf32>,
        %add3A_669 = arith.constant 1 : i32
        %add3A_670 = vector.broadcast %add3A_669 : i32 to vector<16xi32>
        %add3A_671 = arith.addi %add3A_665, %add3A_670 : vector<16xi32>
        %broadcast_in_dim3A_672 = arith.constant 22 : i32
        %broadcast_in_dim3A_673 = vector.broadcast %broadcast_in_dim3A_672 : i32 to vector<16xi32>
        tpu.vector_store_idx %arg8[%broadcast_in_dim3A_673, %add3A_506, %add3A_508], %gather3A_632 : memref<50x8x128xf32, #tpu.memory_space<vmem>>[vector<16xi32>, vector<16xi32>, vector<16xi32>], vector<16xf32>,
        %gather3A_674 = tpu.vector_load_idx %arg5[%add3A_671] : memref<5000xf32, #tpu.memory_space<vmem>>[vector<16xi32>], vector<16xf32>,
        %add3A_675 = arith.constant 1 : i32
        %add3A_676 = vector.broadcast %add3A_675 : i32 to vector<16xi32>
        %add3A_677 = arith.addi %add3A_671, %add3A_676 : vector<16xi32>
        %broadcast_in_dim3A_678 = arith.constant 23 : i32
        %broadcast_in_dim3A_679 = vector.broadcast %broadcast_in_dim3A_678 : i32 to vector<16xi32>
        tpu.vector_store_idx %arg8[%broadcast_in_dim3A_679, %add3A_506, %add3A_508], %gather3A_638 : memref<50x8x128xf32, #tpu.memory_space<vmem>>[vector<16xi32>, vector<16xi32>, vector<16xi32>], vector<16xf32>,
        %gather3A_680 = tpu.vector_load_idx %arg5[%add3A_677] : memref<5000xf32, #tpu.memory_space<vmem>>[vector<16xi32>], vector<16xf32>,
        %add3A_681 = arith.constant 1 : i32
        %add3A_682 = vector.broadcast %add3A_681 : i32 to vector<16xi32>
        %add3A_683 = arith.addi %add3A_677, %add3A_682 : vector<16xi32>
        %broadcast_in_dim3A_684 = arith.constant 24 : i32
        %broadcast_in_dim3A_685 = vector.broadcast %broadcast_in_dim3A_684 : i32 to vector<16xi32>
        tpu.vector_store_idx %arg8[%broadcast_in_dim3A_685, %add3A_506, %add3A_508], %gather3A_644 : memref<50x8x128xf32, #tpu.memory_space<vmem>>[vector<16xi32>, vector<16xi32>, vector<16xi32>], vector<16xf32>,
        %gather3A_686 = tpu.vector_load_idx %arg5[%add3A_683] : memref<5000xf32, #tpu.memory_space<vmem>>[vector<16xi32>], vector<16xf32>,
        %add3A_687 = arith.constant 1 : i32
        %add3A_688 = vector.broadcast %add3A_687 : i32 to vector<16xi32>
        %add3A_689 = arith.addi %add3A_683, %add3A_688 : vector<16xi32>
        %broadcast_in_dim3A_690 = arith.constant 25 : i32
        %broadcast_in_dim3A_691 = vector.broadcast %broadcast_in_dim3A_690 : i32 to vector<16xi32>
        tpu.vector_store_idx %arg8[%broadcast_in_dim3A_691, %add3A_506, %add3A_508], %gather3A_650 : memref<50x8x128xf32, #tpu.memory_space<vmem>>[vector<16xi32>, vector<16xi32>, vector<16xi32>], vector<16xf32>,
        %gather3A_692 = tpu.vector_load_idx %arg5[%add3A_689] : memref<5000xf32, #tpu.memory_space<vmem>>[vector<16xi32>], vector<16xf32>,
        %add3A_693 = arith.constant 1 : i32
        %add3A_694 = vector.broadcast %add3A_693 : i32 to vector<16xi32>
        %add3A_695 = arith.addi %add3A_689, %add3A_694 : vector<16xi32>
        %broadcast_in_dim3A_696 = arith.constant 26 : i32
        %broadcast_in_dim3A_697 = vector.broadcast %broadcast_in_dim3A_696 : i32 to vector<16xi32>
        tpu.vector_store_idx %arg8[%broadcast_in_dim3A_697, %add3A_506, %add3A_508], %gather3A_656 : memref<50x8x128xf32, #tpu.memory_space<vmem>>[vector<16xi32>, vector<16xi32>, vector<16xi32>], vector<16xf32>,
        %gather3A_698 = tpu.vector_load_idx %arg5[%add3A_695] : memref<5000xf32, #tpu.memory_space<vmem>>[vector<16xi32>], vector<16xf32>,
        %add3A_699 = arith.constant 1 : i32
        %add3A_700 = vector.broadcast %add3A_699 : i32 to vector<16xi32>
        %add3A_701 = arith.addi %add3A_695, %add3A_700 : vector<16xi32>
        %broadcast_in_dim3A_702 = arith.constant 27 : i32
        %broadcast_in_dim3A_703 = vector.broadcast %broadcast_in_dim3A_702 : i32 to vector<16xi32>
        tpu.vector_store_idx %arg8[%broadcast_in_dim3A_703, %add3A_506, %add3A_508], %gather3A_662 : memref<50x8x128xf32, #tpu.memory_space<vmem>>[vector<16xi32>, vector<16xi32>, vector<16xi32>], vector<16xf32>,
        %gather3A_704 = tpu.vector_load_idx %arg5[%add3A_701] : memref<5000xf32, #tpu.memory_space<vmem>>[vector<16xi32>], vector<16xf32>,
        %add3A_705 = arith.constant 1 : i32
        %add3A_706 = vector.broadcast %add3A_705 : i32 to vector<16xi32>
        %add3A_707 = arith.addi %add3A_701, %add3A_706 : vector<16xi32>
        %broadcast_in_dim3A_708 = arith.constant 28 : i32
        %broadcast_in_dim3A_709 = vector.broadcast %broadcast_in_dim3A_708 : i32 to vector<16xi32>
        tpu.vector_store_idx %arg8[%broadcast_in_dim3A_709, %add3A_506, %add3A_508], %gather3A_668 : memref<50x8x128xf32, #tpu.memory_space<vmem>>[vector<16xi32>, vector<16xi32>, vector<16xi32>], vector<16xf32>,
        %gather3A_710 = tpu.vector_load_idx %arg5[%add3A_707] : memref<5000xf32, #tpu.memory_space<vmem>>[vector<16xi32>], vector<16xf32>,
        %add3A_711 = arith.constant 1 : i32
        %add3A_712 = vector.broadcast %add3A_711 : i32 to vector<16xi32>
        %add3A_713 = arith.addi %add3A_707, %add3A_712 : vector<16xi32>
        %broadcast_in_dim3A_714 = arith.constant 29 : i32
        %broadcast_in_dim3A_715 = vector.broadcast %broadcast_in_dim3A_714 : i32 to vector<16xi32>
        tpu.vector_store_idx %arg8[%broadcast_in_dim3A_715, %add3A_506, %add3A_508], %gather3A_674 : memref<50x8x128xf32, #tpu.memory_space<vmem>>[vector<16xi32>, vector<16xi32>, vector<16xi32>], vector<16xf32>,
        %gather3A_716 = tpu.vector_load_idx %arg5[%add3A_713] : memref<5000xf32, #tpu.memory_space<vmem>>[vector<16xi32>], vector<16xf32>,
        %add3A_717 = arith.constant 1 : i32
        %add3A_718 = vector.broadcast %add3A_717 : i32 to vector<16xi32>
        %add3A_719 = arith.addi %add3A_713, %add3A_718 : vector<16xi32>
        %broadcast_in_dim3A_720 = arith.constant 30 : i32
        %broadcast_in_dim3A_721 = vector.broadcast %broadcast_in_dim3A_720 : i32 to vector<16xi32>
        tpu.vector_store_idx %arg8[%broadcast_in_dim3A_721, %add3A_506, %add3A_508], %gather3A_680 : memref<50x8x128xf32, #tpu.memory_space<vmem>>[vector<16xi32>, vector<16xi32>, vector<16xi32>], vector<16xf32>,
        %gather3A_722 = tpu.vector_load_idx %arg5[%add3A_719] : memref<5000xf32, #tpu.memory_space<vmem>>[vector<16xi32>], vector<16xf32>,
        %add3A_723 = arith.constant 1 : i32
        %add3A_724 = vector.broadcast %add3A_723 : i32 to vector<16xi32>
        %add3A_725 = arith.addi %add3A_719, %add3A_724 : vector<16xi32>
        %broadcast_in_dim3A_726 = arith.constant 31 : i32
        %broadcast_in_dim3A_727 = vector.broadcast %broadcast_in_dim3A_726 : i32 to vector<16xi32>
        tpu.vector_store_idx %arg8[%broadcast_in_dim3A_727, %add3A_506, %add3A_508], %gather3A_686 : memref<50x8x128xf32, #tpu.memory_space<vmem>>[vector<16xi32>, vector<16xi32>, vector<16xi32>], vector<16xf32>,
        %gather3A_728 = tpu.vector_load_idx %arg5[%add3A_725] : memref<5000xf32, #tpu.memory_space<vmem>>[vector<16xi32>], vector<16xf32>,
        %add3A_729 = arith.constant 1 : i32
        %add3A_730 = vector.broadcast %add3A_729 : i32 to vector<16xi32>
        %add3A_731 = arith.addi %add3A_725, %add3A_730 : vector<16xi32>
        %broadcast_in_dim3A_732 = arith.constant 32 : i32
        %broadcast_in_dim3A_733 = vector.broadcast %broadcast_in_dim3A_732 : i32 to vector<16xi32>
        tpu.vector_store_idx %arg8[%broadcast_in_dim3A_733, %add3A_506, %add3A_508], %gather3A_692 : memref<50x8x128xf32, #tpu.memory_space<vmem>>[vector<16xi32>, vector<16xi32>, vector<16xi32>], vector<16xf32>,
        %gather3A_734 = tpu.vector_load_idx %arg5[%add3A_731] : memref<5000xf32, #tpu.memory_space<vmem>>[vector<16xi32>], vector<16xf32>,
        %add3A_735 = arith.constant 1 : i32
        %add3A_736 = vector.broadcast %add3A_735 : i32 to vector<16xi32>
        %add3A_737 = arith.addi %add3A_731, %add3A_736 : vector<16xi32>
        %broadcast_in_dim3A_738 = arith.constant 33 : i32
        %broadcast_in_dim3A_739 = vector.broadcast %broadcast_in_dim3A_738 : i32 to vector<16xi32>
        tpu.vector_store_idx %arg8[%broadcast_in_dim3A_739, %add3A_506, %add3A_508], %gather3A_698 : memref<50x8x128xf32, #tpu.memory_space<vmem>>[vector<16xi32>, vector<16xi32>, vector<16xi32>], vector<16xf32>,
        %gather3A_740 = tpu.vector_load_idx %arg5[%add3A_737] : memref<5000xf32, #tpu.memory_space<vmem>>[vector<16xi32>], vector<16xf32>,
        %add3A_741 = arith.constant 1 : i32
        %add3A_742 = vector.broadcast %add3A_741 : i32 to vector<16xi32>
        %add3A_743 = arith.addi %add3A_737, %add3A_742 : vector<16xi32>
        %broadcast_in_dim3A_744 = arith.constant 34 : i32
        %broadcast_in_dim3A_745 = vector.broadcast %broadcast_in_dim3A_744 : i32 to vector<16xi32>
        tpu.vector_store_idx %arg8[%broadcast_in_dim3A_745, %add3A_506, %add3A_508], %gather3A_704 : memref<50x8x128xf32, #tpu.memory_space<vmem>>[vector<16xi32>, vector<16xi32>, vector<16xi32>], vector<16xf32>,
        %gather3A_746 = tpu.vector_load_idx %arg5[%add3A_743] : memref<5000xf32, #tpu.memory_space<vmem>>[vector<16xi32>], vector<16xf32>,
        %add3A_747 = arith.constant 1 : i32
        %add3A_748 = vector.broadcast %add3A_747 : i32 to vector<16xi32>
        %add3A_749 = arith.addi %add3A_743, %add3A_748 : vector<16xi32>
        %broadcast_in_dim3A_750 = arith.constant 35 : i32
        %broadcast_in_dim3A_751 = vector.broadcast %broadcast_in_dim3A_750 : i32 to vector<16xi32>
        tpu.vector_store_idx %arg8[%broadcast_in_dim3A_751, %add3A_506, %add3A_508], %gather3A_710 : memref<50x8x128xf32, #tpu.memory_space<vmem>>[vector<16xi32>, vector<16xi32>, vector<16xi32>], vector<16xf32>,
        %gather3A_752 = tpu.vector_load_idx %arg5[%add3A_749] : memref<5000xf32, #tpu.memory_space<vmem>>[vector<16xi32>], vector<16xf32>,
        %add3A_753 = arith.constant 1 : i32
        %add3A_754 = vector.broadcast %add3A_753 : i32 to vector<16xi32>
        %add3A_755 = arith.addi %add3A_749, %add3A_754 : vector<16xi32>
        %broadcast_in_dim3A_756 = arith.constant 36 : i32
        %broadcast_in_dim3A_757 = vector.broadcast %broadcast_in_dim3A_756 : i32 to vector<16xi32>
        tpu.vector_store_idx %arg8[%broadcast_in_dim3A_757, %add3A_506, %add3A_508], %gather3A_716 : memref<50x8x128xf32, #tpu.memory_space<vmem>>[vector<16xi32>, vector<16xi32>, vector<16xi32>], vector<16xf32>,
        %gather3A_758 = tpu.vector_load_idx %arg5[%add3A_755] : memref<5000xf32, #tpu.memory_space<vmem>>[vector<16xi32>], vector<16xf32>,
        %add3A_759 = arith.constant 1 : i32
        %add3A_760 = vector.broadcast %add3A_759 : i32 to vector<16xi32>
        %add3A_761 = arith.addi %add3A_755, %add3A_760 : vector<16xi32>
        %broadcast_in_dim3A_762 = arith.constant 37 : i32
        %broadcast_in_dim3A_763 = vector.broadcast %broadcast_in_dim3A_762 : i32 to vector<16xi32>
        tpu.vector_store_idx %arg8[%broadcast_in_dim3A_763, %add3A_506, %add3A_508], %gather3A_722 : memref<50x8x128xf32, #tpu.memory_space<vmem>>[vector<16xi32>, vector<16xi32>, vector<16xi32>], vector<16xf32>,
        %gather3A_764 = tpu.vector_load_idx %arg5[%add3A_761] : memref<5000xf32, #tpu.memory_space<vmem>>[vector<16xi32>], vector<16xf32>,
        %add3A_765 = arith.constant 1 : i32
        %add3A_766 = vector.broadcast %add3A_765 : i32 to vector<16xi32>
        %add3A_767 = arith.addi %add3A_761, %add3A_766 : vector<16xi32>
        %broadcast_in_dim3A_768 = arith.constant 38 : i32
        %broadcast_in_dim3A_769 = vector.broadcast %broadcast_in_dim3A_768 : i32 to vector<16xi32>
        tpu.vector_store_idx %arg8[%broadcast_in_dim3A_769, %add3A_506, %add3A_508], %gather3A_728 : memref<50x8x128xf32, #tpu.memory_space<vmem>>[vector<16xi32>, vector<16xi32>, vector<16xi32>], vector<16xf32>,
        %gather3A_770 = tpu.vector_load_idx %arg5[%add3A_767] : memref<5000xf32, #tpu.memory_space<vmem>>[vector<16xi32>], vector<16xf32>,
        %add3A_771 = arith.constant 1 : i32
        %add3A_772 = vector.broadcast %add3A_771 : i32 to vector<16xi32>
        %add3A_773 = arith.addi %add3A_767, %add3A_772 : vector<16xi32>
        %broadcast_in_dim3A_774 = arith.constant 39 : i32
        %broadcast_in_dim3A_775 = vector.broadcast %broadcast_in_dim3A_774 : i32 to vector<16xi32>
        tpu.vector_store_idx %arg8[%broadcast_in_dim3A_775, %add3A_506, %add3A_508], %gather3A_734 : memref<50x8x128xf32, #tpu.memory_space<vmem>>[vector<16xi32>, vector<16xi32>, vector<16xi32>], vector<16xf32>,
        %gather3A_776 = tpu.vector_load_idx %arg5[%add3A_773] : memref<5000xf32, #tpu.memory_space<vmem>>[vector<16xi32>], vector<16xf32>,
        %add3A_777 = arith.constant 1 : i32
        %add3A_778 = vector.broadcast %add3A_777 : i32 to vector<16xi32>
        %add3A_779 = arith.addi %add3A_773, %add3A_778 : vector<16xi32>
        %broadcast_in_dim3A_780 = arith.constant 40 : i32
        %broadcast_in_dim3A_781 = vector.broadcast %broadcast_in_dim3A_780 : i32 to vector<16xi32>
        tpu.vector_store_idx %arg8[%broadcast_in_dim3A_781, %add3A_506, %add3A_508], %gather3A_740 : memref<50x8x128xf32, #tpu.memory_space<vmem>>[vector<16xi32>, vector<16xi32>, vector<16xi32>], vector<16xf32>,
        %gather3A_782 = tpu.vector_load_idx %arg5[%add3A_779] : memref<5000xf32, #tpu.memory_space<vmem>>[vector<16xi32>], vector<16xf32>,
        %add3A_783 = arith.constant 1 : i32
        %add3A_784 = vector.broadcast %add3A_783 : i32 to vector<16xi32>
        %add3A_785 = arith.addi %add3A_779, %add3A_784 : vector<16xi32>
        %broadcast_in_dim3A_786 = arith.constant 41 : i32
        %broadcast_in_dim3A_787 = vector.broadcast %broadcast_in_dim3A_786 : i32 to vector<16xi32>
        tpu.vector_store_idx %arg8[%broadcast_in_dim3A_787, %add3A_506, %add3A_508], %gather3A_746 : memref<50x8x128xf32, #tpu.memory_space<vmem>>[vector<16xi32>, vector<16xi32>, vector<16xi32>], vector<16xf32>,
        %gather3A_788 = tpu.vector_load_idx %arg5[%add3A_785] : memref<5000xf32, #tpu.memory_space<vmem>>[vector<16xi32>], vector<16xf32>,
        %add3A_789 = arith.constant 1 : i32
        %add3A_790 = vector.broadcast %add3A_789 : i32 to vector<16xi32>
        %add3A_791 = arith.addi %add3A_785, %add3A_790 : vector<16xi32>
        %broadcast_in_dim3A_792 = arith.constant 42 : i32
        %broadcast_in_dim3A_793 = vector.broadcast %broadcast_in_dim3A_792 : i32 to vector<16xi32>
        tpu.vector_store_idx %arg8[%broadcast_in_dim3A_793, %add3A_506, %add3A_508], %gather3A_752 : memref<50x8x128xf32, #tpu.memory_space<vmem>>[vector<16xi32>, vector<16xi32>, vector<16xi32>], vector<16xf32>,
        %gather3A_794 = tpu.vector_load_idx %arg5[%add3A_791] : memref<5000xf32, #tpu.memory_space<vmem>>[vector<16xi32>], vector<16xf32>,
        %add3A_795 = arith.constant 1 : i32
        %add3A_796 = vector.broadcast %add3A_795 : i32 to vector<16xi32>
        %add3A_797 = arith.addi %add3A_791, %add3A_796 : vector<16xi32>
        %broadcast_in_dim3A_798 = arith.constant 43 : i32
        %broadcast_in_dim3A_799 = vector.broadcast %broadcast_in_dim3A_798 : i32 to vector<16xi32>
        tpu.vector_store_idx %arg8[%broadcast_in_dim3A_799, %add3A_506, %add3A_508], %gather3A_758 : memref<50x8x128xf32, #tpu.memory_space<vmem>>[vector<16xi32>, vector<16xi32>, vector<16xi32>], vector<16xf32>,
        %broadcast_in_dim3A_800 = arith.constant 44 : i32
        %broadcast_in_dim3A_801 = vector.broadcast %broadcast_in_dim3A_800 : i32 to vector<16xi32>
        tpu.vector_store_idx %arg8[%broadcast_in_dim3A_801, %add3A_506, %add3A_508], %gather3A_764 : memref<50x8x128xf32, #tpu.memory_space<vmem>>[vector<16xi32>, vector<16xi32>, vector<16xi32>], vector<16xf32>,
        %broadcast_in_dim3A_802 = arith.constant 45 : i32
        %broadcast_in_dim3A_803 = vector.broadcast %broadcast_in_dim3A_802 : i32 to vector<16xi32>
        tpu.vector_store_idx %arg8[%broadcast_in_dim3A_803, %add3A_506, %add3A_508], %gather3A_770 : memref<50x8x128xf32, #tpu.memory_space<vmem>>[vector<16xi32>, vector<16xi32>, vector<16xi32>], vector<16xf32>,
        %broadcast_in_dim3A_804 = arith.constant 46 : i32
        %broadcast_in_dim3A_805 = vector.broadcast %broadcast_in_dim3A_804 : i32 to vector<16xi32>
        tpu.vector_store_idx %arg8[%broadcast_in_dim3A_805, %add3A_506, %add3A_508], %gather3A_776 : memref<50x8x128xf32, #tpu.memory_space<vmem>>[vector<16xi32>, vector<16xi32>, vector<16xi32>], vector<16xf32>,
        %broadcast_in_dim3A_806 = arith.constant 47 : i32
        %broadcast_in_dim3A_807 = vector.broadcast %broadcast_in_dim3A_806 : i32 to vector<16xi32>
        tpu.vector_store_idx %arg8[%broadcast_in_dim3A_807, %add3A_506, %add3A_508], %gather3A_782 : memref<50x8x128xf32, #tpu.memory_space<vmem>>[vector<16xi32>, vector<16xi32>, vector<16xi32>], vector<16xf32>,
        %broadcast_in_dim3A_808 = arith.constant 48 : i32
        %broadcast_in_dim3A_809 = vector.broadcast %broadcast_in_dim3A_808 : i32 to vector<16xi32>
        tpu.vector_store_idx %arg8[%broadcast_in_dim3A_809, %add3A_506, %add3A_508], %gather3A_788 : memref<50x8x128xf32, #tpu.memory_space<vmem>>[vector<16xi32>, vector<16xi32>, vector<16xi32>], vector<16xf32>,
        %broadcast_in_dim3A_810 = arith.constant 49 : i32
        %broadcast_in_dim3A_811 = vector.broadcast %broadcast_in_dim3A_810 : i32 to vector<16xi32>
        tpu.vector_store_idx %arg8[%broadcast_in_dim3A_811, %add3A_506, %add3A_508], %gather3A_794 : memref<50x8x128xf32, #tpu.memory_space<vmem>>[vector<16xi32>, vector<16xi32>, vector<16xi32>], vector<16xf32>,
      }
      %scan3A_274 = arith.constant 64 : i32
      %mul3A_275 = arith.constant 32 : i32
      %mul3A_276 = arith.muli %add3A_214, %mul3A_275 : i32
      %add3A_277 = arith.addi %mul3A_276, %add3A : i32
      %jit3A_278 = arith.constant 128 : i32
      %div3A_279 = arith.divsi %add3A_277, %jit3A_278 : i32
      %sign3A_280 = arith.constant 0 : i32
      %sign3A_281 = arith.cmpi sgt, %add3A_277, %sign3A_280 : i32
      %sign3A_282 = arith.extui %sign3A_281 : i1 to i32
      %sign3A_283 = arith.constant 0 : i32
      %sign3A_284 = arith.cmpi slt, %add3A_277, %sign3A_283 : i32
      %sign3A_285 = arith.extui %sign3A_284 : i1 to i32
      %sign3A_286 = arith.subi %sign3A_282, %sign3A_285 : i32
      %sign3A_287 = arith.constant 0 : i32
      %sign3A_288 = arith.cmpi sgt, %jit3A_278, %sign3A_287 : i32
      %sign3A_289 = arith.extui %sign3A_288 : i1 to i32
      %sign3A_290 = arith.constant 0 : i32
      %sign3A_291 = arith.cmpi slt, %jit3A_278, %sign3A_290 : i32
      %sign3A_292 = arith.extui %sign3A_291 : i1 to i32
      %sign3A_293 = arith.subi %sign3A_289, %sign3A_292 : i32
      %ne3A_294 = arith.cmpi ne, %sign3A_286, %sign3A_293 : i32
      %rem3A_295 = arith.remsi %add3A_277, %jit3A_278 : i32
      %ne3A_296 = arith.constant 0 : i32
      %ne3A_297 = arith.cmpi ne, %rem3A_295, %ne3A_296 : i32
      %and3A_298 = arith.andi %ne3A_294, %ne3A_297 : i1
      %sub3A_299 = arith.constant 1 : i32
      %sub3A_300 = arith.subi %div3A_279, %sub3A_299 : i32
      %select_n3A_301 = arith.select %and3A_298, %sub3A_300, %div3A_279 : i32
      %jit3A_302 = arith.constant 128 : i32
      %eq3A_303 = arith.constant 0 : i32
      %eq3A_304 = arith.cmpi eq, %jit3A_302, %eq3A_303 : i32
      %jit3A_305 = arith.constant 1 : i32
      %select_n3A_306 = arith.select %eq3A_304, %jit3A_305, %jit3A_302 : i32
      %rem3A_307 = arith.remsi %add3A_277, %select_n3A_306 : i32
      %ne3A_308 = arith.constant 0 : i32
      %ne3A_309 = arith.cmpi ne, %rem3A_307, %ne3A_308 : i32
      %lt3A_310 = arith.constant 0 : i32
      %lt3A_311 = arith.cmpi slt, %rem3A_307, %lt3A_310 : i32
      %lt3A_312 = arith.constant 0 : i32
      %lt3A_313 = arith.cmpi slt, %select_n3A_306, %lt3A_312 : i32
      %ne3A_314 = arith.xori %lt3A_311, %lt3A_313 : i1
      %and3A_315 = arith.andi %ne3A_314, %ne3A_309 : i1
      %add3A_316 = arith.addi %rem3A_307, %select_n3A_306 : i32
      %select_n3A_317 = arith.select %and3A_315, %add3A_316, %rem3A_307 : i32
      %mul3A_318 = arith.constant 8 : i32
      %mul3A_319 = arith.muli %select_n3A_301, %mul3A_318 : i32
      %mul3A_320 = arith.constant 128 : i32
      %mul3A_321 = arith.muli %select_n3A_317, %mul3A_320 : i32
      %dma_start3A_322 = arith.constant 0 : i32
      %dma_start3A_323 = arith.constant 0 : i32
      %dma_start3A_324 = tpu.memref_slice %arg4[%dma_start3A_323, %mul3A_319, %mul3A_321] : memref<50x200x16384xf32, #tpu.memory_space<hbm>> -> memref<50x8x128xf32, #tpu.memory_space<hbm>>
      %dma_start3A_325 = tpu.memref_slice %arg11[%dma_start3A_322] : memref<2x!tpu.dma_semaphore, #tpu.memory_space<semaphore_mem>> -> memref<1x!tpu.dma_semaphore, #tpu.memory_space<semaphore_mem>>
      %dma_start3A_326 = tpu.memref_squeeze %dma_start3A_325 : memref<1x!tpu.dma_semaphore, #tpu.memory_space<semaphore_mem>> -> memref<!tpu.dma_semaphore, #tpu.memory_space<semaphore_mem>>
      %dma_start3A_327 = arith.constant 0 : i32
      %dma_start3A_328 = tpu.memref_slice %arg4[%dma_start3A_327, %mul3A_319, %mul3A_321] : memref<50x200x16384xf32, #tpu.memory_space<hbm>> -> memref<50x8x128xf32, #tpu.memory_space<hbm>>
      tpu.enqueue_dma source(%arg8 : memref<50x8x128xf32, #tpu.memory_space<vmem>>) target(%dma_start3A_328 : memref<50x8x128xf32, #tpu.memory_space<hbm>>) target_semaphore(%dma_start3A_326 : memref<!tpu.dma_semaphore, #tpu.memory_space<semaphore_mem>>)
      %lt3A_329 = arith.constant 49 : i32
      %lt3A_330 = arith.cmpi slt, %scan3A_210, %lt3A_329 : i32
      %convert_element_type3A_331 = arith.extui %lt3A_330 : i1 to i32
      %cond3A_332 = arith.constant 0 : i32
      %cond3A_333 = arith.cmpi ne, %convert_element_type3A_331, %cond3A_332 : i32
      scf.if %cond3A_333 {
        %add3A_460 = arith.constant 2 : i32
        %add3A_461 = arith.addi %add3A_214, %add3A_460 : i32
        %mul3A_462 = arith.constant 32 : i32
        %mul3A_463 = arith.muli %add3A_461, %mul3A_462 : i32
        %add3A_464 = arith.addi %mul3A_463, %add3A : i32
        %jit3A_465 = arith.constant 128 : i32
        %div3A_466 = arith.divsi %add3A_464, %jit3A_465 : i32
        %sign3A_467 = arith.constant 0 : i32
        %sign3A_468 = arith.cmpi sgt, %add3A_464, %sign3A_467 : i32
        %sign3A_469 = arith.extui %sign3A_468 : i1 to i32
        %sign3A_470 = arith.constant 0 : i32
        %sign3A_471 = arith.cmpi slt, %add3A_464, %sign3A_470 : i32
        %sign3A_472 = arith.extui %sign3A_471 : i1 to i32
        %sign3A_473 = arith.subi %sign3A_469, %sign3A_472 : i32
        %sign3A_474 = arith.constant 0 : i32
        %sign3A_475 = arith.cmpi sgt, %jit3A_465, %sign3A_474 : i32
        %sign3A_476 = arith.extui %sign3A_475 : i1 to i32
        %sign3A_477 = arith.constant 0 : i32
        %sign3A_478 = arith.cmpi slt, %jit3A_465, %sign3A_477 : i32
        %sign3A_479 = arith.extui %sign3A_478 : i1 to i32
        %sign3A_480 = arith.subi %sign3A_476, %sign3A_479 : i32
        %ne3A_481 = arith.cmpi ne, %sign3A_473, %sign3A_480 : i32
        %rem3A_482 = arith.remsi %add3A_464, %jit3A_465 : i32
        %ne3A_483 = arith.constant 0 : i32
        %ne3A_484 = arith.cmpi ne, %rem3A_482, %ne3A_483 : i32
        %and3A_485 = arith.andi %ne3A_481, %ne3A_484 : i1
        %sub3A_486 = arith.constant 1 : i32
        %sub3A_487 = arith.subi %div3A_466, %sub3A_486 : i32
        %select_n3A_488 = arith.select %and3A_485, %sub3A_487, %div3A_466 : i32
        %jit3A_489 = arith.constant 128 : i32
        %eq3A_490 = arith.constant 0 : i32
        %eq3A_491 = arith.cmpi eq, %jit3A_489, %eq3A_490 : i32
        %jit3A_492 = arith.constant 1 : i32
        %select_n3A_493 = arith.select %eq3A_491, %jit3A_492, %jit3A_489 : i32
        %rem3A_494 = arith.remsi %add3A_464, %select_n3A_493 : i32
        %ne3A_495 = arith.constant 0 : i32
        %ne3A_496 = arith.cmpi ne, %rem3A_494, %ne3A_495 : i32
        %lt3A_497 = arith.constant 0 : i32
        %lt3A_498 = arith.cmpi slt, %rem3A_494, %lt3A_497 : i32
        %lt3A_499 = arith.constant 0 : i32
        %lt3A_500 = arith.cmpi slt, %select_n3A_493, %lt3A_499 : i32
        %ne3A_501 = arith.xori %lt3A_498, %lt3A_500 : i1
        %and3A_502 = arith.andi %ne3A_501, %ne3A_496 : i1
        %add3A_503 = arith.addi %rem3A_494, %select_n3A_493 : i32
        %select_n3A_504 = arith.select %and3A_502, %add3A_503, %rem3A_494 : i32
        %mul3A_505 = arith.constant 8 : i32
        %mul3A_506 = arith.muli %select_n3A_488, %mul3A_505 : i32
        %mul3A_507 = arith.constant 128 : i32
        %mul3A_508 = arith.muli %select_n3A_504, %mul3A_507 : i32
        %dma_start3A_509 = arith.constant 0 : i32
        %dma_start3A_510 = tpu.memref_slice %arg2[%mul3A_506, %mul3A_508] : memref<200x16384xi32, #tpu.memory_space<hbm>> -> memref<8x128xi32, #tpu.memory_space<hbm>>
        %dma_start3A_511 = tpu.memref_slice %arg10[%dma_start3A_509] : memref<2x!tpu.dma_semaphore, #tpu.memory_space<semaphore_mem>> -> memref<1x!tpu.dma_semaphore, #tpu.memory_space<semaphore_mem>>
        %dma_start3A_512 = tpu.memref_squeeze %dma_start3A_511 : memref<1x!tpu.dma_semaphore, #tpu.memory_space<semaphore_mem>> -> memref<!tpu.dma_semaphore, #tpu.memory_space<semaphore_mem>>
        %dma_start3A_513 = tpu.memref_slice %arg2[%mul3A_506, %mul3A_508] : memref<200x16384xi32, #tpu.memory_space<hbm>> -> memref<8x128xi32, #tpu.memory_space<hbm>>
        tpu.enqueue_dma source(%dma_start3A_513 : memref<8x128xi32, #tpu.memory_space<hbm>>) target(%arg6 : memref<8x128xi32, #tpu.memory_space<vmem>>) target_semaphore(%dma_start3A_512 : memref<!tpu.dma_semaphore, #tpu.memory_space<semaphore_mem>>)
      } else {
      }
      %mul3A_334 = arith.constant 2 : i32
      %mul3A_335 = arith.muli %scan3A_210, %mul3A_334 : i32
      %add3A_336 = arith.constant 1 : i32
      %add3A_337 = arith.addi %mul3A_335, %add3A_336 : i32
      %mul3A_338 = arith.constant 32 : i32
      %mul3A_339 = arith.muli %add3A_337, %mul3A_338 : i32
      %add3A_340 = arith.addi %mul3A_339, %add3A : i32
      %jit3A_341 = arith.constant 128 : i32
      %div3A_342 = arith.divsi %add3A_340, %jit3A_341 : i32
      %sign3A_343 = arith.constant 0 : i32
      %sign3A_344 = arith.cmpi sgt, %add3A_340, %sign3A_343 : i32
      %sign3A_345 = arith.extui %sign3A_344 : i1 to i32
      %sign3A_346 = arith.constant 0 : i32
      %sign3A_347 = arith.cmpi slt, %add3A_340, %sign3A_346 : i32
      %sign3A_348 = arith.extui %sign3A_347 : i1 to i32
      %sign3A_349 = arith.subi %sign3A_345, %sign3A_348 : i32
      %sign3A_350 = arith.constant 0 : i32
      %sign3A_351 = arith.cmpi sgt, %jit3A_341, %sign3A_350 : i32
      %sign3A_352 = arith.extui %sign3A_351 : i1 to i32
      %sign3A_353 = arith.constant 0 : i32
      %sign3A_354 = arith.cmpi slt, %jit3A_341, %sign3A_353 : i32
      %sign3A_355 = arith.extui %sign3A_354 : i1 to i32
      %sign3A_356 = arith.subi %sign3A_352, %sign3A_355 : i32
      %ne3A_357 = arith.cmpi ne, %sign3A_349, %sign3A_356 : i32
      %rem3A_358 = arith.remsi %add3A_340, %jit3A_341 : i32
      %ne3A_359 = arith.constant 0 : i32
      %ne3A_360 = arith.cmpi ne, %rem3A_358, %ne3A_359 : i32
      %and3A_361 = arith.andi %ne3A_357, %ne3A_360 : i1
      %sub3A_362 = arith.constant 1 : i32
      %sub3A_363 = arith.subi %div3A_342, %sub3A_362 : i32
      %select_n3A_364 = arith.select %and3A_361, %sub3A_363, %div3A_342 : i32
      %jit3A_365 = arith.constant 128 : i32
      %eq3A_366 = arith.constant 0 : i32
      %eq3A_367 = arith.cmpi eq, %jit3A_365, %eq3A_366 : i32
      %jit3A_368 = arith.constant 1 : i32
      %select_n3A_369 = arith.select %eq3A_367, %jit3A_368, %jit3A_365 : i32
      %rem3A_370 = arith.remsi %add3A_340, %select_n3A_369 : i32
      %ne3A_371 = arith.constant 0 : i32
      %ne3A_372 = arith.cmpi ne, %rem3A_370, %ne3A_371 : i32
      %lt3A_373 = arith.constant 0 : i32
      %lt3A_374 = arith.cmpi slt, %rem3A_370, %lt3A_373 : i32
      %lt3A_375 = arith.constant 0 : i32
      %lt3A_376 = arith.cmpi slt, %select_n3A_369, %lt3A_375 : i32
      %ne3A_377 = arith.xori %lt3A_374, %lt3A_376 : i1
      %and3A_378 = arith.andi %ne3A_377, %ne3A_372 : i1
      %add3A_379 = arith.addi %rem3A_370, %select_n3A_369 : i32
      %select_n3A_380 = arith.select %and3A_378, %add3A_379, %rem3A_370 : i32
      %mul3A_381 = arith.constant 8 : i32
      %mul3A_382 = arith.muli %select_n3A_364, %mul3A_381 : i32
      %mul3A_383 = arith.constant 128 : i32
      %mul3A_384 = arith.muli %select_n3A_380, %mul3A_383 : i32
      %dma_wait3A_385 = arith.constant 1 : i32
      %dma_wait3A_386 = tpu.memref_slice %arg2[%mul3A_382, %mul3A_384] : memref<200x16384xi32, #tpu.memory_space<hbm>> -> memref<8x128xi32, #tpu.memory_space<hbm>>
      %dma_wait3A_387 = tpu.memref_slice %arg10[%dma_wait3A_385] : memref<2x!tpu.dma_semaphore, #tpu.memory_space<semaphore_mem>> -> memref<1x!tpu.dma_semaphore, #tpu.memory_space<semaphore_mem>>
      %dma_wait3A_388 = tpu.memref_squeeze %dma_wait3A_387 : memref<1x!tpu.dma_semaphore, #tpu.memory_space<semaphore_mem>> -> memref<!tpu.dma_semaphore, #tpu.memory_space<semaphore_mem>>
      %dma_wait3A_389 = tpu.memref_slice %arg2[%mul3A_382, %mul3A_384] : memref<200x16384xi32, #tpu.memory_space<hbm>> -> memref<8x128xi32, #tpu.memory_space<hbm>>
      tpu.wait_dma2 semaphore(%dma_wait3A_388 : memref<!tpu.dma_semaphore, #tpu.memory_space<semaphore_mem>>) src(%dma_wait3A_389 : memref<8x128xi32, #tpu.memory_space<hbm>>) dst(%arg7 : memref<8x128xi32, #tpu.memory_space<vmem>>)
      %gt3A_390 = arith.constant 0 : i32
      %gt3A_391 = arith.cmpi sgt, %scan3A_210, %gt3A_390 : i32
      %convert_element_type3A_392 = arith.extui %gt3A_391 : i1 to i32
      %cond3A_393 = arith.constant 0 : i32
      %cond3A_394 = arith.cmpi ne, %convert_element_type3A_392, %cond3A_393 : i32
      scf.if %cond3A_394 {
        %mul3A_460 = arith.constant 32 : i32
        %mul3A_461 = arith.muli %add3A_337, %mul3A_460 : i32
        %add3A_462 = arith.addi %mul3A_461, %add3A : i32
        %jit3A_463 = arith.constant 128 : i32
        %div3A_464 = arith.divsi %add3A_462, %jit3A_463 : i32
        %sign3A_465 = arith.constant 0 : i32
        %sign3A_466 = arith.cmpi sgt, %add3A_462, %sign3A_465 : i32
        %sign3A_467 = arith.extui %sign3A_466 : i1 to i32
        %sign3A_468 = arith.constant 0 : i32
        %sign3A_469 = arith.cmpi slt, %add3A_462, %sign3A_468 : i32
        %sign3A_470 = arith.extui %sign3A_469 : i1 to i32
        %sign3A_471 = arith.subi %sign3A_467, %sign3A_470 : i32
        %sign3A_472 = arith.constant 0 : i32
        %sign3A_473 = arith.cmpi sgt, %jit3A_463, %sign3A_472 : i32
        %sign3A_474 = arith.extui %sign3A_473 : i1 to i32
        %sign3A_475 = arith.constant 0 : i32
        %sign3A_476 = arith.cmpi slt, %jit3A_463, %sign3A_475 : i32
        %sign3A_477 = arith.extui %sign3A_476 : i1 to i32
        %sign3A_478 = arith.subi %sign3A_474, %sign3A_477 : i32
        %ne3A_479 = arith.cmpi ne, %sign3A_471, %sign3A_478 : i32
        %rem3A_480 = arith.remsi %add3A_462, %jit3A_463 : i32
        %ne3A_481 = arith.constant 0 : i32
        %ne3A_482 = arith.cmpi ne, %rem3A_480, %ne3A_481 : i32
        %and3A_483 = arith.andi %ne3A_479, %ne3A_482 : i1
        %sub3A_484 = arith.constant 1 : i32
        %sub3A_485 = arith.subi %div3A_464, %sub3A_484 : i32
        %select_n3A_486 = arith.select %and3A_483, %sub3A_485, %div3A_464 : i32
        %jit3A_487 = arith.constant 128 : i32
        %eq3A_488 = arith.constant 0 : i32
        %eq3A_489 = arith.cmpi eq, %jit3A_487, %eq3A_488 : i32
        %jit3A_490 = arith.constant 1 : i32
        %select_n3A_491 = arith.select %eq3A_489, %jit3A_490, %jit3A_487 : i32
        %rem3A_492 = arith.remsi %add3A_462, %select_n3A_491 : i32
        %ne3A_493 = arith.constant 0 : i32
        %ne3A_494 = arith.cmpi ne, %rem3A_492, %ne3A_493 : i32
        %lt3A_495 = arith.constant 0 : i32
        %lt3A_496 = arith.cmpi slt, %rem3A_492, %lt3A_495 : i32
        %lt3A_497 = arith.constant 0 : i32
        %lt3A_498 = arith.cmpi slt, %select_n3A_491, %lt3A_497 : i32
        %ne3A_499 = arith.xori %lt3A_496, %lt3A_498 : i1
        %and3A_500 = arith.andi %ne3A_499, %ne3A_494 : i1
        %add3A_501 = arith.addi %rem3A_492, %select_n3A_491 : i32
        %select_n3A_502 = arith.select %and3A_500, %add3A_501, %rem3A_492 : i32
        %mul3A_503 = arith.constant 8 : i32
        %mul3A_504 = arith.muli %select_n3A_486, %mul3A_503 : i32
        %mul3A_505 = arith.constant 128 : i32
        %mul3A_506 = arith.muli %select_n3A_502, %mul3A_505 : i32
        %dma_wait3A_507 = arith.constant 1 : i32
        %dma_wait3A_508 = arith.constant 0 : i32
        %dma_wait3A_509 = tpu.memref_slice %arg4[%dma_wait3A_508, %mul3A_504, %mul3A_506] : memref<50x200x16384xf32, #tpu.memory_space<hbm>> -> memref<50x8x128xf32, #tpu.memory_space<hbm>>
        %dma_wait3A_510 = tpu.memref_slice %arg11[%dma_wait3A_507] : memref<2x!tpu.dma_semaphore, #tpu.memory_space<semaphore_mem>> -> memref<1x!tpu.dma_semaphore, #tpu.memory_space<semaphore_mem>>
        %dma_wait3A_511 = tpu.memref_squeeze %dma_wait3A_510 : memref<1x!tpu.dma_semaphore, #tpu.memory_space<semaphore_mem>> -> memref<!tpu.dma_semaphore, #tpu.memory_space<semaphore_mem>>
        %dma_wait3A_512 = arith.constant 0 : i32
        %dma_wait3A_513 = tpu.memref_slice %arg4[%dma_wait3A_512, %mul3A_504, %mul3A_506] : memref<50x200x16384xf32, #tpu.memory_space<hbm>> -> memref<50x8x128xf32, #tpu.memory_space<hbm>>
        tpu.wait_dma2 semaphore(%dma_wait3A_511 : memref<!tpu.dma_semaphore, #tpu.memory_space<semaphore_mem>>) src(%arg9 : memref<50x8x128xf32, #tpu.memory_space<vmem>>) dst(%dma_wait3A_513 : memref<50x8x128xf32, #tpu.memory_space<hbm>>)
      } else {
      }
      %scan3A_395 = arith.constant 0 : i32
      %scan3A_396 = arith.constant 0 : i32
      %scan3A_397 = arith.constant 64 : i32
      %scan3A_398 = arith.addi %scan3A_396, %scan3A_397 : i32
      %scan3A_399 = arith.constant 1 : i32
      scf.for %scan3A_460 = %scan3A_396 to %scan3A_398 step %scan3A_399  : i32 {
        %jit3A_461 = arith.constant 8 : i32
        %div3A_462 = arith.divsi %scan3A_460, %jit3A_461 : i32
        %sign3A_463 = arith.constant 0 : i32
        %sign3A_464 = arith.cmpi sgt, %scan3A_460, %sign3A_463 : i32
        %sign3A_465 = arith.extui %sign3A_464 : i1 to i32
        %sign3A_466 = arith.constant 0 : i32
        %sign3A_467 = arith.cmpi slt, %scan3A_460, %sign3A_466 : i32
        %sign3A_468 = arith.extui %sign3A_467 : i1 to i32
        %sign3A_469 = arith.subi %sign3A_465, %sign3A_468 : i32
        %sign3A_470 = arith.constant 0 : i32
        %sign3A_471 = arith.cmpi sgt, %jit3A_461, %sign3A_470 : i32
        %sign3A_472 = arith.extui %sign3A_471 : i1 to i32
        %sign3A_473 = arith.constant 0 : i32
        %sign3A_474 = arith.cmpi slt, %jit3A_461, %sign3A_473 : i32
        %sign3A_475 = arith.extui %sign3A_474 : i1 to i32
        %sign3A_476 = arith.subi %sign3A_472, %sign3A_475 : i32
        %ne3A_477 = arith.cmpi ne, %sign3A_469, %sign3A_476 : i32
        %rem3A_478 = arith.remsi %scan3A_460, %jit3A_461 : i32
        %ne3A_479 = arith.constant 0 : i32
        %ne3A_480 = arith.cmpi ne, %rem3A_478, %ne3A_479 : i32
        %and3A_481 = arith.andi %ne3A_477, %ne3A_480 : i1
        %sub3A_482 = arith.constant 1 : i32
        %sub3A_483 = arith.subi %div3A_462, %sub3A_482 : i32
        %select_n3A_484 = arith.select %and3A_481, %sub3A_483, %div3A_462 : i32
        %jit3A_485 = arith.constant 8 : i32
        %eq3A_486 = arith.constant 0 : i32
        %eq3A_487 = arith.cmpi eq, %jit3A_485, %eq3A_486 : i32
        %jit3A_488 = arith.constant 1 : i32
        %select_n3A_489 = arith.select %eq3A_487, %jit3A_488, %jit3A_485 : i32
        %rem3A_490 = arith.remsi %scan3A_460, %select_n3A_489 : i32
        %ne3A_491 = arith.constant 0 : i32
        %ne3A_492 = arith.cmpi ne, %rem3A_490, %ne3A_491 : i32
        %lt3A_493 = arith.constant 0 : i32
        %lt3A_494 = arith.cmpi slt, %rem3A_490, %lt3A_493 : i32
        %lt3A_495 = arith.constant 0 : i32
        %lt3A_496 = arith.cmpi slt, %select_n3A_489, %lt3A_495 : i32
        %ne3A_497 = arith.xori %lt3A_494, %lt3A_496 : i1
        %and3A_498 = arith.andi %ne3A_497, %ne3A_492 : i1
        %add3A_499 = arith.addi %rem3A_490, %select_n3A_489 : i32
        %select_n3A_500 = arith.select %and3A_498, %add3A_499, %rem3A_490 : i32
        %mul3A_501 = arith.constant 16 : i32
        %mul3A_502 = arith.muli %select_n3A_500, %mul3A_501 : i32
        %broadcast_in_dim3A_503 = arith.constant 0 : i32
        %broadcast_in_dim3A_504 = vector.broadcast %broadcast_in_dim3A_503 : i32 to vector<16xi32>
        %add3A_505 = vector.broadcast %select_n3A_484 : i32 to vector<16xi32>
        %add3A_506 = arith.addi %broadcast_in_dim3A_504, %add3A_505 : vector<16xi32>
        %add3A_507 = vector.broadcast %mul3A_502 : i32 to vector<16xi32>
        %add3A_508 = arith.addi %add3A_507, %iota3A : vector<16xi32>
        %gather3A = tpu.vector_load_idx %arg7[%add3A_506, %add3A_508] : memref<8x128xi32, #tpu.memory_space<vmem>>[vector<16xi32>, vector<16xi32>], vector<16xi32>,
        %mul3A_509 = arith.constant 50 : i32
        %mul3A_510 = vector.broadcast %mul3A_509 : i32 to vector<16xi32>
        %mul3A_511 = arith.muli %gather3A, %mul3A_510 : vector<16xi32>
        %gather3A_512 = tpu.vector_load_idx %arg5[%mul3A_511] : memref<5000xf32, #tpu.memory_space<vmem>>[vector<16xi32>], vector<16xf32>,
        %add3A_513 = arith.constant 1 : i32
        %add3A_514 = vector.broadcast %add3A_513 : i32 to vector<16xi32>
        %add3A_515 = arith.addi %mul3A_511, %add3A_514 : vector<16xi32>
        %gather3A_516 = tpu.vector_load_idx %arg5[%add3A_515] : memref<5000xf32, #tpu.memory_space<vmem>>[vector<16xi32>], vector<16xf32>,
        %add3A_517 = arith.constant 1 : i32
        %add3A_518 = vector.broadcast %add3A_517 : i32 to vector<16xi32>
        %add3A_519 = arith.addi %add3A_515, %add3A_518 : vector<16xi32>
        %gather3A_520 = tpu.vector_load_idx %arg5[%add3A_519] : memref<5000xf32, #tpu.memory_space<vmem>>[vector<16xi32>], vector<16xf32>,
        %add3A_521 = arith.constant 1 : i32
        %add3A_522 = vector.broadcast %add3A_521 : i32 to vector<16xi32>
        %add3A_523 = arith.addi %add3A_519, %add3A_522 : vector<16xi32>
        %gather3A_524 = tpu.vector_load_idx %arg5[%add3A_523] : memref<5000xf32, #tpu.memory_space<vmem>>[vector<16xi32>], vector<16xf32>,
        %add3A_525 = arith.constant 1 : i32
        %add3A_526 = vector.broadcast %add3A_525 : i32 to vector<16xi32>
        %add3A_527 = arith.addi %add3A_523, %add3A_526 : vector<16xi32>
        %gather3A_528 = tpu.vector_load_idx %arg5[%add3A_527] : memref<5000xf32, #tpu.memory_space<vmem>>[vector<16xi32>], vector<16xf32>,
        %add3A_529 = arith.constant 1 : i32
        %add3A_530 = vector.broadcast %add3A_529 : i32 to vector<16xi32>
        %add3A_531 = arith.addi %add3A_527, %add3A_530 : vector<16xi32>
        %gather3A_532 = tpu.vector_load_idx %arg5[%add3A_531] : memref<5000xf32, #tpu.memory_space<vmem>>[vector<16xi32>], vector<16xf32>,
        %add3A_533 = arith.constant 1 : i32
        %add3A_534 = vector.broadcast %add3A_533 : i32 to vector<16xi32>
        %add3A_535 = arith.addi %add3A_531, %add3A_534 : vector<16xi32>
        %gather3A_536 = tpu.vector_load_idx %arg5[%add3A_535] : memref<5000xf32, #tpu.memory_space<vmem>>[vector<16xi32>], vector<16xf32>,
        %add3A_537 = arith.constant 1 : i32
        %add3A_538 = vector.broadcast %add3A_537 : i32 to vector<16xi32>
        %add3A_539 = arith.addi %add3A_535, %add3A_538 : vector<16xi32>
        %broadcast_in_dim3A_540 = arith.constant 0 : i32
        %broadcast_in_dim3A_541 = vector.broadcast %broadcast_in_dim3A_540 : i32 to vector<16xi32>
        tpu.vector_store_idx %arg9[%broadcast_in_dim3A_541, %add3A_506, %add3A_508], %gather3A_512 : memref<50x8x128xf32, #tpu.memory_space<vmem>>[vector<16xi32>, vector<16xi32>, vector<16xi32>], vector<16xf32>,
        %gather3A_542 = tpu.vector_load_idx %arg5[%add3A_539] : memref<5000xf32, #tpu.memory_space<vmem>>[vector<16xi32>], vector<16xf32>,
        %add3A_543 = arith.constant 1 : i32
        %add3A_544 = vector.broadcast %add3A_543 : i32 to vector<16xi32>
        %add3A_545 = arith.addi %add3A_539, %add3A_544 : vector<16xi32>
        %broadcast_in_dim3A_546 = arith.constant 1 : i32
        %broadcast_in_dim3A_547 = vector.broadcast %broadcast_in_dim3A_546 : i32 to vector<16xi32>
        tpu.vector_store_idx %arg9[%broadcast_in_dim3A_547, %add3A_506, %add3A_508], %gather3A_516 : memref<50x8x128xf32, #tpu.memory_space<vmem>>[vector<16xi32>, vector<16xi32>, vector<16xi32>], vector<16xf32>,
        %gather3A_548 = tpu.vector_load_idx %arg5[%add3A_545] : memref<5000xf32, #tpu.memory_space<vmem>>[vector<16xi32>], vector<16xf32>,
        %add3A_549 = arith.constant 1 : i32
        %add3A_550 = vector.broadcast %add3A_549 : i32 to vector<16xi32>
        %add3A_551 = arith.addi %add3A_545, %add3A_550 : vector<16xi32>
        %broadcast_in_dim3A_552 = arith.constant 2 : i32
        %broadcast_in_dim3A_553 = vector.broadcast %broadcast_in_dim3A_552 : i32 to vector<16xi32>
        tpu.vector_store_idx %arg9[%broadcast_in_dim3A_553, %add3A_506, %add3A_508], %gather3A_520 : memref<50x8x128xf32, #tpu.memory_space<vmem>>[vector<16xi32>, vector<16xi32>, vector<16xi32>], vector<16xf32>,
        %gather3A_554 = tpu.vector_load_idx %arg5[%add3A_551] : memref<5000xf32, #tpu.memory_space<vmem>>[vector<16xi32>], vector<16xf32>,
        %add3A_555 = arith.constant 1 : i32
        %add3A_556 = vector.broadcast %add3A_555 : i32 to vector<16xi32>
        %add3A_557 = arith.addi %add3A_551, %add3A_556 : vector<16xi32>
        %broadcast_in_dim3A_558 = arith.constant 3 : i32
        %broadcast_in_dim3A_559 = vector.broadcast %broadcast_in_dim3A_558 : i32 to vector<16xi32>
        tpu.vector_store_idx %arg9[%broadcast_in_dim3A_559, %add3A_506, %add3A_508], %gather3A_524 : memref<50x8x128xf32, #tpu.memory_space<vmem>>[vector<16xi32>, vector<16xi32>, vector<16xi32>], vector<16xf32>,
        %gather3A_560 = tpu.vector_load_idx %arg5[%add3A_557] : memref<5000xf32, #tpu.memory_space<vmem>>[vector<16xi32>], vector<16xf32>,
        %add3A_561 = arith.constant 1 : i32
        %add3A_562 = vector.broadcast %add3A_561 : i32 to vector<16xi32>
        %add3A_563 = arith.addi %add3A_557, %add3A_562 : vector<16xi32>
        %broadcast_in_dim3A_564 = arith.constant 4 : i32
        %broadcast_in_dim3A_565 = vector.broadcast %broadcast_in_dim3A_564 : i32 to vector<16xi32>
        tpu.vector_store_idx %arg9[%broadcast_in_dim3A_565, %add3A_506, %add3A_508], %gather3A_528 : memref<50x8x128xf32, #tpu.memory_space<vmem>>[vector<16xi32>, vector<16xi32>, vector<16xi32>], vector<16xf32>,
        %gather3A_566 = tpu.vector_load_idx %arg5[%add3A_563] : memref<5000xf32, #tpu.memory_space<vmem>>[vector<16xi32>], vector<16xf32>,
        %add3A_567 = arith.constant 1 : i32
        %add3A_568 = vector.broadcast %add3A_567 : i32 to vector<16xi32>
        %add3A_569 = arith.addi %add3A_563, %add3A_568 : vector<16xi32>
        %broadcast_in_dim3A_570 = arith.constant 5 : i32
        %broadcast_in_dim3A_571 = vector.broadcast %broadcast_in_dim3A_570 : i32 to vector<16xi32>
        tpu.vector_store_idx %arg9[%broadcast_in_dim3A_571, %add3A_506, %add3A_508], %gather3A_532 : memref<50x8x128xf32, #tpu.memory_space<vmem>>[vector<16xi32>, vector<16xi32>, vector<16xi32>], vector<16xf32>,
        %gather3A_572 = tpu.vector_load_idx %arg5[%add3A_569] : memref<5000xf32, #tpu.memory_space<vmem>>[vector<16xi32>], vector<16xf32>,
        %add3A_573 = arith.constant 1 : i32
        %add3A_574 = vector.broadcast %add3A_573 : i32 to vector<16xi32>
        %add3A_575 = arith.addi %add3A_569, %add3A_574 : vector<16xi32>
        %broadcast_in_dim3A_576 = arith.constant 6 : i32
        %broadcast_in_dim3A_577 = vector.broadcast %broadcast_in_dim3A_576 : i32 to vector<16xi32>
        tpu.vector_store_idx %arg9[%broadcast_in_dim3A_577, %add3A_506, %add3A_508], %gather3A_536 : memref<50x8x128xf32, #tpu.memory_space<vmem>>[vector<16xi32>, vector<16xi32>, vector<16xi32>], vector<16xf32>,
        %gather3A_578 = tpu.vector_load_idx %arg5[%add3A_575] : memref<5000xf32, #tpu.memory_space<vmem>>[vector<16xi32>], vector<16xf32>,
        %add3A_579 = arith.constant 1 : i32
        %add3A_580 = vector.broadcast %add3A_579 : i32 to vector<16xi32>
        %add3A_581 = arith.addi %add3A_575, %add3A_580 : vector<16xi32>
        %broadcast_in_dim3A_582 = arith.constant 7 : i32
        %broadcast_in_dim3A_583 = vector.broadcast %broadcast_in_dim3A_582 : i32 to vector<16xi32>
        tpu.vector_store_idx %arg9[%broadcast_in_dim3A_583, %add3A_506, %add3A_508], %gather3A_542 : memref<50x8x128xf32, #tpu.memory_space<vmem>>[vector<16xi32>, vector<16xi32>, vector<16xi32>], vector<16xf32>,
        %gather3A_584 = tpu.vector_load_idx %arg5[%add3A_581] : memref<5000xf32, #tpu.memory_space<vmem>>[vector<16xi32>], vector<16xf32>,
        %add3A_585 = arith.constant 1 : i32
        %add3A_586 = vector.broadcast %add3A_585 : i32 to vector<16xi32>
        %add3A_587 = arith.addi %add3A_581, %add3A_586 : vector<16xi32>
        %broadcast_in_dim3A_588 = arith.constant 8 : i32
        %broadcast_in_dim3A_589 = vector.broadcast %broadcast_in_dim3A_588 : i32 to vector<16xi32>
        tpu.vector_store_idx %arg9[%broadcast_in_dim3A_589, %add3A_506, %add3A_508], %gather3A_548 : memref<50x8x128xf32, #tpu.memory_space<vmem>>[vector<16xi32>, vector<16xi32>, vector<16xi32>], vector<16xf32>,
        %gather3A_590 = tpu.vector_load_idx %arg5[%add3A_587] : memref<5000xf32, #tpu.memory_space<vmem>>[vector<16xi32>], vector<16xf32>,
        %add3A_591 = arith.constant 1 : i32
        %add3A_592 = vector.broadcast %add3A_591 : i32 to vector<16xi32>
        %add3A_593 = arith.addi %add3A_587, %add3A_592 : vector<16xi32>
        %broadcast_in_dim3A_594 = arith.constant 9 : i32
        %broadcast_in_dim3A_595 = vector.broadcast %broadcast_in_dim3A_594 : i32 to vector<16xi32>
        tpu.vector_store_idx %arg9[%broadcast_in_dim3A_595, %add3A_506, %add3A_508], %gather3A_554 : memref<50x8x128xf32, #tpu.memory_space<vmem>>[vector<16xi32>, vector<16xi32>, vector<16xi32>], vector<16xf32>,
        %gather3A_596 = tpu.vector_load_idx %arg5[%add3A_593] : memref<5000xf32, #tpu.memory_space<vmem>>[vector<16xi32>], vector<16xf32>,
        %add3A_597 = arith.constant 1 : i32
        %add3A_598 = vector.broadcast %add3A_597 : i32 to vector<16xi32>
        %add3A_599 = arith.addi %add3A_593, %add3A_598 : vector<16xi32>
        %broadcast_in_dim3A_600 = arith.constant 10 : i32
        %broadcast_in_dim3A_601 = vector.broadcast %broadcast_in_dim3A_600 : i32 to vector<16xi32>
        tpu.vector_store_idx %arg9[%broadcast_in_dim3A_601, %add3A_506, %add3A_508], %gather3A_560 : memref<50x8x128xf32, #tpu.memory_space<vmem>>[vector<16xi32>, vector<16xi32>, vector<16xi32>], vector<16xf32>,
        %gather3A_602 = tpu.vector_load_idx %arg5[%add3A_599] : memref<5000xf32, #tpu.memory_space<vmem>>[vector<16xi32>], vector<16xf32>,
        %add3A_603 = arith.constant 1 : i32
        %add3A_604 = vector.broadcast %add3A_603 : i32 to vector<16xi32>
        %add3A_605 = arith.addi %add3A_599, %add3A_604 : vector<16xi32>
        %broadcast_in_dim3A_606 = arith.constant 11 : i32
        %broadcast_in_dim3A_607 = vector.broadcast %broadcast_in_dim3A_606 : i32 to vector<16xi32>
        tpu.vector_store_idx %arg9[%broadcast_in_dim3A_607, %add3A_506, %add3A_508], %gather3A_566 : memref<50x8x128xf32, #tpu.memory_space<vmem>>[vector<16xi32>, vector<16xi32>, vector<16xi32>], vector<16xf32>,
        %gather3A_608 = tpu.vector_load_idx %arg5[%add3A_605] : memref<5000xf32, #tpu.memory_space<vmem>>[vector<16xi32>], vector<16xf32>,
        %add3A_609 = arith.constant 1 : i32
        %add3A_610 = vector.broadcast %add3A_609 : i32 to vector<16xi32>
        %add3A_611 = arith.addi %add3A_605, %add3A_610 : vector<16xi32>
        %broadcast_in_dim3A_612 = arith.constant 12 : i32
        %broadcast_in_dim3A_613 = vector.broadcast %broadcast_in_dim3A_612 : i32 to vector<16xi32>
        tpu.vector_store_idx %arg9[%broadcast_in_dim3A_613, %add3A_506, %add3A_508], %gather3A_572 : memref<50x8x128xf32, #tpu.memory_space<vmem>>[vector<16xi32>, vector<16xi32>, vector<16xi32>], vector<16xf32>,
        %gather3A_614 = tpu.vector_load_idx %arg5[%add3A_611] : memref<5000xf32, #tpu.memory_space<vmem>>[vector<16xi32>], vector<16xf32>,
        %add3A_615 = arith.constant 1 : i32
        %add3A_616 = vector.broadcast %add3A_615 : i32 to vector<16xi32>
        %add3A_617 = arith.addi %add3A_611, %add3A_616 : vector<16xi32>
        %broadcast_in_dim3A_618 = arith.constant 13 : i32
        %broadcast_in_dim3A_619 = vector.broadcast %broadcast_in_dim3A_618 : i32 to vector<16xi32>
        tpu.vector_store_idx %arg9[%broadcast_in_dim3A_619, %add3A_506, %add3A_508], %gather3A_578 : memref<50x8x128xf32, #tpu.memory_space<vmem>>[vector<16xi32>, vector<16xi32>, vector<16xi32>], vector<16xf32>,
        %gather3A_620 = tpu.vector_load_idx %arg5[%add3A_617] : memref<5000xf32, #tpu.memory_space<vmem>>[vector<16xi32>], vector<16xf32>,
        %add3A_621 = arith.constant 1 : i32
        %add3A_622 = vector.broadcast %add3A_621 : i32 to vector<16xi32>
        %add3A_623 = arith.addi %add3A_617, %add3A_622 : vector<16xi32>
        %broadcast_in_dim3A_624 = arith.constant 14 : i32
        %broadcast_in_dim3A_625 = vector.broadcast %broadcast_in_dim3A_624 : i32 to vector<16xi32>
        tpu.vector_store_idx %arg9[%broadcast_in_dim3A_625, %add3A_506, %add3A_508], %gather3A_584 : memref<50x8x128xf32, #tpu.memory_space<vmem>>[vector<16xi32>, vector<16xi32>, vector<16xi32>], vector<16xf32>,
        %gather3A_626 = tpu.vector_load_idx %arg5[%add3A_623] : memref<5000xf32, #tpu.memory_space<vmem>>[vector<16xi32>], vector<16xf32>,
        %add3A_627 = arith.constant 1 : i32
        %add3A_628 = vector.broadcast %add3A_627 : i32 to vector<16xi32>
        %add3A_629 = arith.addi %add3A_623, %add3A_628 : vector<16xi32>
        %broadcast_in_dim3A_630 = arith.constant 15 : i32
        %broadcast_in_dim3A_631 = vector.broadcast %broadcast_in_dim3A_630 : i32 to vector<16xi32>
        tpu.vector_store_idx %arg9[%broadcast_in_dim3A_631, %add3A_506, %add3A_508], %gather3A_590 : memref<50x8x128xf32, #tpu.memory_space<vmem>>[vector<16xi32>, vector<16xi32>, vector<16xi32>], vector<16xf32>,
        %gather3A_632 = tpu.vector_load_idx %arg5[%add3A_629] : memref<5000xf32, #tpu.memory_space<vmem>>[vector<16xi32>], vector<16xf32>,
        %add3A_633 = arith.constant 1 : i32
        %add3A_634 = vector.broadcast %add3A_633 : i32 to vector<16xi32>
        %add3A_635 = arith.addi %add3A_629, %add3A_634 : vector<16xi32>
        %broadcast_in_dim3A_636 = arith.constant 16 : i32
        %broadcast_in_dim3A_637 = vector.broadcast %broadcast_in_dim3A_636 : i32 to vector<16xi32>
        tpu.vector_store_idx %arg9[%broadcast_in_dim3A_637, %add3A_506, %add3A_508], %gather3A_596 : memref<50x8x128xf32, #tpu.memory_space<vmem>>[vector<16xi32>, vector<16xi32>, vector<16xi32>], vector<16xf32>,
        %gather3A_638 = tpu.vector_load_idx %arg5[%add3A_635] : memref<5000xf32, #tpu.memory_space<vmem>>[vector<16xi32>], vector<16xf32>,
        %add3A_639 = arith.constant 1 : i32
        %add3A_640 = vector.broadcast %add3A_639 : i32 to vector<16xi32>
        %add3A_641 = arith.addi %add3A_635, %add3A_640 : vector<16xi32>
        %broadcast_in_dim3A_642 = arith.constant 17 : i32
        %broadcast_in_dim3A_643 = vector.broadcast %broadcast_in_dim3A_642 : i32 to vector<16xi32>
        tpu.vector_store_idx %arg9[%broadcast_in_dim3A_643, %add3A_506, %add3A_508], %gather3A_602 : memref<50x8x128xf32, #tpu.memory_space<vmem>>[vector<16xi32>, vector<16xi32>, vector<16xi32>], vector<16xf32>,
        %gather3A_644 = tpu.vector_load_idx %arg5[%add3A_641] : memref<5000xf32, #tpu.memory_space<vmem>>[vector<16xi32>], vector<16xf32>,
        %add3A_645 = arith.constant 1 : i32
        %add3A_646 = vector.broadcast %add3A_645 : i32 to vector<16xi32>
        %add3A_647 = arith.addi %add3A_641, %add3A_646 : vector<16xi32>
        %broadcast_in_dim3A_648 = arith.constant 18 : i32
        %broadcast_in_dim3A_649 = vector.broadcast %broadcast_in_dim3A_648 : i32 to vector<16xi32>
        tpu.vector_store_idx %arg9[%broadcast_in_dim3A_649, %add3A_506, %add3A_508], %gather3A_608 : memref<50x8x128xf32, #tpu.memory_space<vmem>>[vector<16xi32>, vector<16xi32>, vector<16xi32>], vector<16xf32>,
        %gather3A_650 = tpu.vector_load_idx %arg5[%add3A_647] : memref<5000xf32, #tpu.memory_space<vmem>>[vector<16xi32>], vector<16xf32>,
        %add3A_651 = arith.constant 1 : i32
        %add3A_652 = vector.broadcast %add3A_651 : i32 to vector<16xi32>
        %add3A_653 = arith.addi %add3A_647, %add3A_652 : vector<16xi32>
        %broadcast_in_dim3A_654 = arith.constant 19 : i32
        %broadcast_in_dim3A_655 = vector.broadcast %broadcast_in_dim3A_654 : i32 to vector<16xi32>
        tpu.vector_store_idx %arg9[%broadcast_in_dim3A_655, %add3A_506, %add3A_508], %gather3A_614 : memref<50x8x128xf32, #tpu.memory_space<vmem>>[vector<16xi32>, vector<16xi32>, vector<16xi32>], vector<16xf32>,
        %gather3A_656 = tpu.vector_load_idx %arg5[%add3A_653] : memref<5000xf32, #tpu.memory_space<vmem>>[vector<16xi32>], vector<16xf32>,
        %add3A_657 = arith.constant 1 : i32
        %add3A_658 = vector.broadcast %add3A_657 : i32 to vector<16xi32>
        %add3A_659 = arith.addi %add3A_653, %add3A_658 : vector<16xi32>
        %broadcast_in_dim3A_660 = arith.constant 20 : i32
        %broadcast_in_dim3A_661 = vector.broadcast %broadcast_in_dim3A_660 : i32 to vector<16xi32>
        tpu.vector_store_idx %arg9[%broadcast_in_dim3A_661, %add3A_506, %add3A_508], %gather3A_620 : memref<50x8x128xf32, #tpu.memory_space<vmem>>[vector<16xi32>, vector<16xi32>, vector<16xi32>], vector<16xf32>,
        %gather3A_662 = tpu.vector_load_idx %arg5[%add3A_659] : memref<5000xf32, #tpu.memory_space<vmem>>[vector<16xi32>], vector<16xf32>,
        %add3A_663 = arith.constant 1 : i32
        %add3A_664 = vector.broadcast %add3A_663 : i32 to vector<16xi32>
        %add3A_665 = arith.addi %add3A_659, %add3A_664 : vector<16xi32>
        %broadcast_in_dim3A_666 = arith.constant 21 : i32
        %broadcast_in_dim3A_667 = vector.broadcast %broadcast_in_dim3A_666 : i32 to vector<16xi32>
        tpu.vector_store_idx %arg9[%broadcast_in_dim3A_667, %add3A_506, %add3A_508], %gather3A_626 : memref<50x8x128xf32, #tpu.memory_space<vmem>>[vector<16xi32>, vector<16xi32>, vector<16xi32>], vector<16xf32>,
        %gather3A_668 = tpu.vector_load_idx %arg5[%add3A_665] : memref<5000xf32, #tpu.memory_space<vmem>>[vector<16xi32>], vector<16xf32>,
        %add3A_669 = arith.constant 1 : i32
        %add3A_670 = vector.broadcast %add3A_669 : i32 to vector<16xi32>
        %add3A_671 = arith.addi %add3A_665, %add3A_670 : vector<16xi32>
        %broadcast_in_dim3A_672 = arith.constant 22 : i32
        %broadcast_in_dim3A_673 = vector.broadcast %broadcast_in_dim3A_672 : i32 to vector<16xi32>
        tpu.vector_store_idx %arg9[%broadcast_in_dim3A_673, %add3A_506, %add3A_508], %gather3A_632 : memref<50x8x128xf32, #tpu.memory_space<vmem>>[vector<16xi32>, vector<16xi32>, vector<16xi32>], vector<16xf32>,
        %gather3A_674 = tpu.vector_load_idx %arg5[%add3A_671] : memref<5000xf32, #tpu.memory_space<vmem>>[vector<16xi32>], vector<16xf32>,
        %add3A_675 = arith.constant 1 : i32
        %add3A_676 = vector.broadcast %add3A_675 : i32 to vector<16xi32>
        %add3A_677 = arith.addi %add3A_671, %add3A_676 : vector<16xi32>
        %broadcast_in_dim3A_678 = arith.constant 23 : i32
        %broadcast_in_dim3A_679 = vector.broadcast %broadcast_in_dim3A_678 : i32 to vector<16xi32>
        tpu.vector_store_idx %arg9[%broadcast_in_dim3A_679, %add3A_506, %add3A_508], %gather3A_638 : memref<50x8x128xf32, #tpu.memory_space<vmem>>[vector<16xi32>, vector<16xi32>, vector<16xi32>], vector<16xf32>,
        %gather3A_680 = tpu.vector_load_idx %arg5[%add3A_677] : memref<5000xf32, #tpu.memory_space<vmem>>[vector<16xi32>], vector<16xf32>,
        %add3A_681 = arith.constant 1 : i32
        %add3A_682 = vector.broadcast %add3A_681 : i32 to vector<16xi32>
        %add3A_683 = arith.addi %add3A_677, %add3A_682 : vector<16xi32>
        %broadcast_in_dim3A_684 = arith.constant 24 : i32
        %broadcast_in_dim3A_685 = vector.broadcast %broadcast_in_dim3A_684 : i32 to vector<16xi32>
        tpu.vector_store_idx %arg9[%broadcast_in_dim3A_685, %add3A_506, %add3A_508], %gather3A_644 : memref<50x8x128xf32, #tpu.memory_space<vmem>>[vector<16xi32>, vector<16xi32>, vector<16xi32>], vector<16xf32>,
        %gather3A_686 = tpu.vector_load_idx %arg5[%add3A_683] : memref<5000xf32, #tpu.memory_space<vmem>>[vector<16xi32>], vector<16xf32>,
        %add3A_687 = arith.constant 1 : i32
        %add3A_688 = vector.broadcast %add3A_687 : i32 to vector<16xi32>
        %add3A_689 = arith.addi %add3A_683, %add3A_688 : vector<16xi32>
        %broadcast_in_dim3A_690 = arith.constant 25 : i32
        %broadcast_in_dim3A_691 = vector.broadcast %broadcast_in_dim3A_690 : i32 to vector<16xi32>
        tpu.vector_store_idx %arg9[%broadcast_in_dim3A_691, %add3A_506, %add3A_508], %gather3A_650 : memref<50x8x128xf32, #tpu.memory_space<vmem>>[vector<16xi32>, vector<16xi32>, vector<16xi32>], vector<16xf32>,
        %gather3A_692 = tpu.vector_load_idx %arg5[%add3A_689] : memref<5000xf32, #tpu.memory_space<vmem>>[vector<16xi32>], vector<16xf32>,
        %add3A_693 = arith.constant 1 : i32
        %add3A_694 = vector.broadcast %add3A_693 : i32 to vector<16xi32>
        %add3A_695 = arith.addi %add3A_689, %add3A_694 : vector<16xi32>
        %broadcast_in_dim3A_696 = arith.constant 26 : i32
        %broadcast_in_dim3A_697 = vector.broadcast %broadcast_in_dim3A_696 : i32 to vector<16xi32>
        tpu.vector_store_idx %arg9[%broadcast_in_dim3A_697, %add3A_506, %add3A_508], %gather3A_656 : memref<50x8x128xf32, #tpu.memory_space<vmem>>[vector<16xi32>, vector<16xi32>, vector<16xi32>], vector<16xf32>,
        %gather3A_698 = tpu.vector_load_idx %arg5[%add3A_695] : memref<5000xf32, #tpu.memory_space<vmem>>[vector<16xi32>], vector<16xf32>,
        %add3A_699 = arith.constant 1 : i32
        %add3A_700 = vector.broadcast %add3A_699 : i32 to vector<16xi32>
        %add3A_701 = arith.addi %add3A_695, %add3A_700 : vector<16xi32>
        %broadcast_in_dim3A_702 = arith.constant 27 : i32
        %broadcast_in_dim3A_703 = vector.broadcast %broadcast_in_dim3A_702 : i32 to vector<16xi32>
        tpu.vector_store_idx %arg9[%broadcast_in_dim3A_703, %add3A_506, %add3A_508], %gather3A_662 : memref<50x8x128xf32, #tpu.memory_space<vmem>>[vector<16xi32>, vector<16xi32>, vector<16xi32>], vector<16xf32>,
        %gather3A_704 = tpu.vector_load_idx %arg5[%add3A_701] : memref<5000xf32, #tpu.memory_space<vmem>>[vector<16xi32>], vector<16xf32>,
        %add3A_705 = arith.constant 1 : i32
        %add3A_706 = vector.broadcast %add3A_705 : i32 to vector<16xi32>
        %add3A_707 = arith.addi %add3A_701, %add3A_706 : vector<16xi32>
        %broadcast_in_dim3A_708 = arith.constant 28 : i32
        %broadcast_in_dim3A_709 = vector.broadcast %broadcast_in_dim3A_708 : i32 to vector<16xi32>
        tpu.vector_store_idx %arg9[%broadcast_in_dim3A_709, %add3A_506, %add3A_508], %gather3A_668 : memref<50x8x128xf32, #tpu.memory_space<vmem>>[vector<16xi32>, vector<16xi32>, vector<16xi32>], vector<16xf32>,
        %gather3A_710 = tpu.vector_load_idx %arg5[%add3A_707] : memref<5000xf32, #tpu.memory_space<vmem>>[vector<16xi32>], vector<16xf32>,
        %add3A_711 = arith.constant 1 : i32
        %add3A_712 = vector.broadcast %add3A_711 : i32 to vector<16xi32>
        %add3A_713 = arith.addi %add3A_707, %add3A_712 : vector<16xi32>
        %broadcast_in_dim3A_714 = arith.constant 29 : i32
        %broadcast_in_dim3A_715 = vector.broadcast %broadcast_in_dim3A_714 : i32 to vector<16xi32>
        tpu.vector_store_idx %arg9[%broadcast_in_dim3A_715, %add3A_506, %add3A_508], %gather3A_674 : memref<50x8x128xf32, #tpu.memory_space<vmem>>[vector<16xi32>, vector<16xi32>, vector<16xi32>], vector<16xf32>,
        %gather3A_716 = tpu.vector_load_idx %arg5[%add3A_713] : memref<5000xf32, #tpu.memory_space<vmem>>[vector<16xi32>], vector<16xf32>,
        %add3A_717 = arith.constant 1 : i32
        %add3A_718 = vector.broadcast %add3A_717 : i32 to vector<16xi32>
        %add3A_719 = arith.addi %add3A_713, %add3A_718 : vector<16xi32>
        %broadcast_in_dim3A_720 = arith.constant 30 : i32
        %broadcast_in_dim3A_721 = vector.broadcast %broadcast_in_dim3A_720 : i32 to vector<16xi32>
        tpu.vector_store_idx %arg9[%broadcast_in_dim3A_721, %add3A_506, %add3A_508], %gather3A_680 : memref<50x8x128xf32, #tpu.memory_space<vmem>>[vector<16xi32>, vector<16xi32>, vector<16xi32>], vector<16xf32>,
        %gather3A_722 = tpu.vector_load_idx %arg5[%add3A_719] : memref<5000xf32, #tpu.memory_space<vmem>>[vector<16xi32>], vector<16xf32>,
        %add3A_723 = arith.constant 1 : i32
        %add3A_724 = vector.broadcast %add3A_723 : i32 to vector<16xi32>
        %add3A_725 = arith.addi %add3A_719, %add3A_724 : vector<16xi32>
        %broadcast_in_dim3A_726 = arith.constant 31 : i32
        %broadcast_in_dim3A_727 = vector.broadcast %broadcast_in_dim3A_726 : i32 to vector<16xi32>
        tpu.vector_store_idx %arg9[%broadcast_in_dim3A_727, %add3A_506, %add3A_508], %gather3A_686 : memref<50x8x128xf32, #tpu.memory_space<vmem>>[vector<16xi32>, vector<16xi32>, vector<16xi32>], vector<16xf32>,
        %gather3A_728 = tpu.vector_load_idx %arg5[%add3A_725] : memref<5000xf32, #tpu.memory_space<vmem>>[vector<16xi32>], vector<16xf32>,
        %add3A_729 = arith.constant 1 : i32
        %add3A_730 = vector.broadcast %add3A_729 : i32 to vector<16xi32>
        %add3A_731 = arith.addi %add3A_725, %add3A_730 : vector<16xi32>
        %broadcast_in_dim3A_732 = arith.constant 32 : i32
        %broadcast_in_dim3A_733 = vector.broadcast %broadcast_in_dim3A_732 : i32 to vector<16xi32>
        tpu.vector_store_idx %arg9[%broadcast_in_dim3A_733, %add3A_506, %add3A_508], %gather3A_692 : memref<50x8x128xf32, #tpu.memory_space<vmem>>[vector<16xi32>, vector<16xi32>, vector<16xi32>], vector<16xf32>,
        %gather3A_734 = tpu.vector_load_idx %arg5[%add3A_731] : memref<5000xf32, #tpu.memory_space<vmem>>[vector<16xi32>], vector<16xf32>,
        %add3A_735 = arith.constant 1 : i32
        %add3A_736 = vector.broadcast %add3A_735 : i32 to vector<16xi32>
        %add3A_737 = arith.addi %add3A_731, %add3A_736 : vector<16xi32>
        %broadcast_in_dim3A_738 = arith.constant 33 : i32
        %broadcast_in_dim3A_739 = vector.broadcast %broadcast_in_dim3A_738 : i32 to vector<16xi32>
        tpu.vector_store_idx %arg9[%broadcast_in_dim3A_739, %add3A_506, %add3A_508], %gather3A_698 : memref<50x8x128xf32, #tpu.memory_space<vmem>>[vector<16xi32>, vector<16xi32>, vector<16xi32>], vector<16xf32>,
        %gather3A_740 = tpu.vector_load_idx %arg5[%add3A_737] : memref<5000xf32, #tpu.memory_space<vmem>>[vector<16xi32>], vector<16xf32>,
        %add3A_741 = arith.constant 1 : i32
        %add3A_742 = vector.broadcast %add3A_741 : i32 to vector<16xi32>
        %add3A_743 = arith.addi %add3A_737, %add3A_742 : vector<16xi32>
        %broadcast_in_dim3A_744 = arith.constant 34 : i32
        %broadcast_in_dim3A_745 = vector.broadcast %broadcast_in_dim3A_744 : i32 to vector<16xi32>
        tpu.vector_store_idx %arg9[%broadcast_in_dim3A_745, %add3A_506, %add3A_508], %gather3A_704 : memref<50x8x128xf32, #tpu.memory_space<vmem>>[vector<16xi32>, vector<16xi32>, vector<16xi32>], vector<16xf32>,
        %gather3A_746 = tpu.vector_load_idx %arg5[%add3A_743] : memref<5000xf32, #tpu.memory_space<vmem>>[vector<16xi32>], vector<16xf32>,
        %add3A_747 = arith.constant 1 : i32
        %add3A_748 = vector.broadcast %add3A_747 : i32 to vector<16xi32>
        %add3A_749 = arith.addi %add3A_743, %add3A_748 : vector<16xi32>
        %broadcast_in_dim3A_750 = arith.constant 35 : i32
        %broadcast_in_dim3A_751 = vector.broadcast %broadcast_in_dim3A_750 : i32 to vector<16xi32>
        tpu.vector_store_idx %arg9[%broadcast_in_dim3A_751, %add3A_506, %add3A_508], %gather3A_710 : memref<50x8x128xf32, #tpu.memory_space<vmem>>[vector<16xi32>, vector<16xi32>, vector<16xi32>], vector<16xf32>,
        %gather3A_752 = tpu.vector_load_idx %arg5[%add3A_749] : memref<5000xf32, #tpu.memory_space<vmem>>[vector<16xi32>], vector<16xf32>,
        %add3A_753 = arith.constant 1 : i32
        %add3A_754 = vector.broadcast %add3A_753 : i32 to vector<16xi32>
        %add3A_755 = arith.addi %add3A_749, %add3A_754 : vector<16xi32>
        %broadcast_in_dim3A_756 = arith.constant 36 : i32
        %broadcast_in_dim3A_757 = vector.broadcast %broadcast_in_dim3A_756 : i32 to vector<16xi32>
        tpu.vector_store_idx %arg9[%broadcast_in_dim3A_757, %add3A_506, %add3A_508], %gather3A_716 : memref<50x8x128xf32, #tpu.memory_space<vmem>>[vector<16xi32>, vector<16xi32>, vector<16xi32>], vector<16xf32>,
        %gather3A_758 = tpu.vector_load_idx %arg5[%add3A_755] : memref<5000xf32, #tpu.memory_space<vmem>>[vector<16xi32>], vector<16xf32>,
        %add3A_759 = arith.constant 1 : i32
        %add3A_760 = vector.broadcast %add3A_759 : i32 to vector<16xi32>
        %add3A_761 = arith.addi %add3A_755, %add3A_760 : vector<16xi32>
        %broadcast_in_dim3A_762 = arith.constant 37 : i32
        %broadcast_in_dim3A_763 = vector.broadcast %broadcast_in_dim3A_762 : i32 to vector<16xi32>
        tpu.vector_store_idx %arg9[%broadcast_in_dim3A_763, %add3A_506, %add3A_508], %gather3A_722 : memref<50x8x128xf32, #tpu.memory_space<vmem>>[vector<16xi32>, vector<16xi32>, vector<16xi32>], vector<16xf32>,
        %gather3A_764 = tpu.vector_load_idx %arg5[%add3A_761] : memref<5000xf32, #tpu.memory_space<vmem>>[vector<16xi32>], vector<16xf32>,
        %add3A_765 = arith.constant 1 : i32
        %add3A_766 = vector.broadcast %add3A_765 : i32 to vector<16xi32>
        %add3A_767 = arith.addi %add3A_761, %add3A_766 : vector<16xi32>
        %broadcast_in_dim3A_768 = arith.constant 38 : i32
        %broadcast_in_dim3A_769 = vector.broadcast %broadcast_in_dim3A_768 : i32 to vector<16xi32>
        tpu.vector_store_idx %arg9[%broadcast_in_dim3A_769, %add3A_506, %add3A_508], %gather3A_728 : memref<50x8x128xf32, #tpu.memory_space<vmem>>[vector<16xi32>, vector<16xi32>, vector<16xi32>], vector<16xf32>,
        %gather3A_770 = tpu.vector_load_idx %arg5[%add3A_767] : memref<5000xf32, #tpu.memory_space<vmem>>[vector<16xi32>], vector<16xf32>,
        %add3A_771 = arith.constant 1 : i32
        %add3A_772 = vector.broadcast %add3A_771 : i32 to vector<16xi32>
        %add3A_773 = arith.addi %add3A_767, %add3A_772 : vector<16xi32>
        %broadcast_in_dim3A_774 = arith.constant 39 : i32
        %broadcast_in_dim3A_775 = vector.broadcast %broadcast_in_dim3A_774 : i32 to vector<16xi32>
        tpu.vector_store_idx %arg9[%broadcast_in_dim3A_775, %add3A_506, %add3A_508], %gather3A_734 : memref<50x8x128xf32, #tpu.memory_space<vmem>>[vector<16xi32>, vector<16xi32>, vector<16xi32>], vector<16xf32>,
        %gather3A_776 = tpu.vector_load_idx %arg5[%add3A_773] : memref<5000xf32, #tpu.memory_space<vmem>>[vector<16xi32>], vector<16xf32>,
        %add3A_777 = arith.constant 1 : i32
        %add3A_778 = vector.broadcast %add3A_777 : i32 to vector<16xi32>
        %add3A_779 = arith.addi %add3A_773, %add3A_778 : vector<16xi32>
        %broadcast_in_dim3A_780 = arith.constant 40 : i32
        %broadcast_in_dim3A_781 = vector.broadcast %broadcast_in_dim3A_780 : i32 to vector<16xi32>
        tpu.vector_store_idx %arg9[%broadcast_in_dim3A_781, %add3A_506, %add3A_508], %gather3A_740 : memref<50x8x128xf32, #tpu.memory_space<vmem>>[vector<16xi32>, vector<16xi32>, vector<16xi32>], vector<16xf32>,
        %gather3A_782 = tpu.vector_load_idx %arg5[%add3A_779] : memref<5000xf32, #tpu.memory_space<vmem>>[vector<16xi32>], vector<16xf32>,
        %add3A_783 = arith.constant 1 : i32
        %add3A_784 = vector.broadcast %add3A_783 : i32 to vector<16xi32>
        %add3A_785 = arith.addi %add3A_779, %add3A_784 : vector<16xi32>
        %broadcast_in_dim3A_786 = arith.constant 41 : i32
        %broadcast_in_dim3A_787 = vector.broadcast %broadcast_in_dim3A_786 : i32 to vector<16xi32>
        tpu.vector_store_idx %arg9[%broadcast_in_dim3A_787, %add3A_506, %add3A_508], %gather3A_746 : memref<50x8x128xf32, #tpu.memory_space<vmem>>[vector<16xi32>, vector<16xi32>, vector<16xi32>], vector<16xf32>,
        %gather3A_788 = tpu.vector_load_idx %arg5[%add3A_785] : memref<5000xf32, #tpu.memory_space<vmem>>[vector<16xi32>], vector<16xf32>,
        %add3A_789 = arith.constant 1 : i32
        %add3A_790 = vector.broadcast %add3A_789 : i32 to vector<16xi32>
        %add3A_791 = arith.addi %add3A_785, %add3A_790 : vector<16xi32>
        %broadcast_in_dim3A_792 = arith.constant 42 : i32
        %broadcast_in_dim3A_793 = vector.broadcast %broadcast_in_dim3A_792 : i32 to vector<16xi32>
        tpu.vector_store_idx %arg9[%broadcast_in_dim3A_793, %add3A_506, %add3A_508], %gather3A_752 : memref<50x8x128xf32, #tpu.memory_space<vmem>>[vector<16xi32>, vector<16xi32>, vector<16xi32>], vector<16xf32>,
        %gather3A_794 = tpu.vector_load_idx %arg5[%add3A_791] : memref<5000xf32, #tpu.memory_space<vmem>>[vector<16xi32>], vector<16xf32>,
        %add3A_795 = arith.constant 1 : i32
        %add3A_796 = vector.broadcast %add3A_795 : i32 to vector<16xi32>
        %add3A_797 = arith.addi %add3A_791, %add3A_796 : vector<16xi32>
        %broadcast_in_dim3A_798 = arith.constant 43 : i32
        %broadcast_in_dim3A_799 = vector.broadcast %broadcast_in_dim3A_798 : i32 to vector<16xi32>
        tpu.vector_store_idx %arg9[%broadcast_in_dim3A_799, %add3A_506, %add3A_508], %gather3A_758 : memref<50x8x128xf32, #tpu.memory_space<vmem>>[vector<16xi32>, vector<16xi32>, vector<16xi32>], vector<16xf32>,
        %broadcast_in_dim3A_800 = arith.constant 44 : i32
        %broadcast_in_dim3A_801 = vector.broadcast %broadcast_in_dim3A_800 : i32 to vector<16xi32>
        tpu.vector_store_idx %arg9[%broadcast_in_dim3A_801, %add3A_506, %add3A_508], %gather3A_764 : memref<50x8x128xf32, #tpu.memory_space<vmem>>[vector<16xi32>, vector<16xi32>, vector<16xi32>], vector<16xf32>,
        %broadcast_in_dim3A_802 = arith.constant 45 : i32
        %broadcast_in_dim3A_803 = vector.broadcast %broadcast_in_dim3A_802 : i32 to vector<16xi32>
        tpu.vector_store_idx %arg9[%broadcast_in_dim3A_803, %add3A_506, %add3A_508], %gather3A_770 : memref<50x8x128xf32, #tpu.memory_space<vmem>>[vector<16xi32>, vector<16xi32>, vector<16xi32>], vector<16xf32>,
        %broadcast_in_dim3A_804 = arith.constant 46 : i32
        %broadcast_in_dim3A_805 = vector.broadcast %broadcast_in_dim3A_804 : i32 to vector<16xi32>
        tpu.vector_store_idx %arg9[%broadcast_in_dim3A_805, %add3A_506, %add3A_508], %gather3A_776 : memref<50x8x128xf32, #tpu.memory_space<vmem>>[vector<16xi32>, vector<16xi32>, vector<16xi32>], vector<16xf32>,
        %broadcast_in_dim3A_806 = arith.constant 47 : i32
        %broadcast_in_dim3A_807 = vector.broadcast %broadcast_in_dim3A_806 : i32 to vector<16xi32>
        tpu.vector_store_idx %arg9[%broadcast_in_dim3A_807, %add3A_506, %add3A_508], %gather3A_782 : memref<50x8x128xf32, #tpu.memory_space<vmem>>[vector<16xi32>, vector<16xi32>, vector<16xi32>], vector<16xf32>,
        %broadcast_in_dim3A_808 = arith.constant 48 : i32
        %broadcast_in_dim3A_809 = vector.broadcast %broadcast_in_dim3A_808 : i32 to vector<16xi32>
        tpu.vector_store_idx %arg9[%broadcast_in_dim3A_809, %add3A_506, %add3A_508], %gather3A_788 : memref<50x8x128xf32, #tpu.memory_space<vmem>>[vector<16xi32>, vector<16xi32>, vector<16xi32>], vector<16xf32>,
        %broadcast_in_dim3A_810 = arith.constant 49 : i32
        %broadcast_in_dim3A_811 = vector.broadcast %broadcast_in_dim3A_810 : i32 to vector<16xi32>
        tpu.vector_store_idx %arg9[%broadcast_in_dim3A_811, %add3A_506, %add3A_508], %gather3A_794 : memref<50x8x128xf32, #tpu.memory_space<vmem>>[vector<16xi32>, vector<16xi32>, vector<16xi32>], vector<16xf32>,
      }
      %scan3A_400 = arith.constant 64 : i32
      %mul3A_401 = arith.constant 32 : i32
      %mul3A_402 = arith.muli %add3A_337, %mul3A_401 : i32
      %add3A_403 = arith.addi %mul3A_402, %add3A : i32
      %jit3A_404 = arith.constant 128 : i32
      %div3A_405 = arith.divsi %add3A_403, %jit3A_404 : i32
      %sign3A_406 = arith.constant 0 : i32
      %sign3A_407 = arith.cmpi sgt, %add3A_403, %sign3A_406 : i32
      %sign3A_408 = arith.extui %sign3A_407 : i1 to i32
      %sign3A_409 = arith.constant 0 : i32
      %sign3A_410 = arith.cmpi slt, %add3A_403, %sign3A_409 : i32
      %sign3A_411 = arith.extui %sign3A_410 : i1 to i32
      %sign3A_412 = arith.subi %sign3A_408, %sign3A_411 : i32
      %sign3A_413 = arith.constant 0 : i32
      %sign3A_414 = arith.cmpi sgt, %jit3A_404, %sign3A_413 : i32
      %sign3A_415 = arith.extui %sign3A_414 : i1 to i32
      %sign3A_416 = arith.constant 0 : i32
      %sign3A_417 = arith.cmpi slt, %jit3A_404, %sign3A_416 : i32
      %sign3A_418 = arith.extui %sign3A_417 : i1 to i32
      %sign3A_419 = arith.subi %sign3A_415, %sign3A_418 : i32
      %ne3A_420 = arith.cmpi ne, %sign3A_412, %sign3A_419 : i32
      %rem3A_421 = arith.remsi %add3A_403, %jit3A_404 : i32
      %ne3A_422 = arith.constant 0 : i32
      %ne3A_423 = arith.cmpi ne, %rem3A_421, %ne3A_422 : i32
      %and3A_424 = arith.andi %ne3A_420, %ne3A_423 : i1
      %sub3A_425 = arith.constant 1 : i32
      %sub3A_426 = arith.subi %div3A_405, %sub3A_425 : i32
      %select_n3A_427 = arith.select %and3A_424, %sub3A_426, %div3A_405 : i32
      %jit3A_428 = arith.constant 128 : i32
      %eq3A_429 = arith.constant 0 : i32
      %eq3A_430 = arith.cmpi eq, %jit3A_428, %eq3A_429 : i32
      %jit3A_431 = arith.constant 1 : i32
      %select_n3A_432 = arith.select %eq3A_430, %jit3A_431, %jit3A_428 : i32
      %rem3A_433 = arith.remsi %add3A_403, %select_n3A_432 : i32
      %ne3A_434 = arith.constant 0 : i32
      %ne3A_435 = arith.cmpi ne, %rem3A_433, %ne3A_434 : i32
      %lt3A_436 = arith.constant 0 : i32
      %lt3A_437 = arith.cmpi slt, %rem3A_433, %lt3A_436 : i32
      %lt3A_438 = arith.constant 0 : i32
      %lt3A_439 = arith.cmpi slt, %select_n3A_432, %lt3A_438 : i32
      %ne3A_440 = arith.xori %lt3A_437, %lt3A_439 : i1
      %and3A_441 = arith.andi %ne3A_440, %ne3A_435 : i1
      %add3A_442 = arith.addi %rem3A_433, %select_n3A_432 : i32
      %select_n3A_443 = arith.select %and3A_441, %add3A_442, %rem3A_433 : i32
      %mul3A_444 = arith.constant 8 : i32
      %mul3A_445 = arith.muli %select_n3A_427, %mul3A_444 : i32
      %mul3A_446 = arith.constant 128 : i32
      %mul3A_447 = arith.muli %select_n3A_443, %mul3A_446 : i32
      %dma_start3A_448 = arith.constant 1 : i32
      %dma_start3A_449 = arith.constant 0 : i32
      %dma_start3A_450 = tpu.memref_slice %arg4[%dma_start3A_449, %mul3A_445, %mul3A_447] : memref<50x200x16384xf32, #tpu.memory_space<hbm>> -> memref<50x8x128xf32, #tpu.memory_space<hbm>>
      %dma_start3A_451 = tpu.memref_slice %arg11[%dma_start3A_448] : memref<2x!tpu.dma_semaphore, #tpu.memory_space<semaphore_mem>> -> memref<1x!tpu.dma_semaphore, #tpu.memory_space<semaphore_mem>>
      %dma_start3A_452 = tpu.memref_squeeze %dma_start3A_451 : memref<1x!tpu.dma_semaphore, #tpu.memory_space<semaphore_mem>> -> memref<!tpu.dma_semaphore, #tpu.memory_space<semaphore_mem>>
      %dma_start3A_453 = arith.constant 0 : i32
      %dma_start3A_454 = tpu.memref_slice %arg4[%dma_start3A_453, %mul3A_445, %mul3A_447] : memref<50x200x16384xf32, #tpu.memory_space<hbm>> -> memref<50x8x128xf32, #tpu.memory_space<hbm>>
      tpu.enqueue_dma source(%arg9 : memref<50x8x128xf32, #tpu.memory_space<vmem>>) target(%dma_start3A_454 : memref<50x8x128xf32, #tpu.memory_space<hbm>>) target_semaphore(%dma_start3A_452 : memref<!tpu.dma_semaphore, #tpu.memory_space<semaphore_mem>>)
      %lt3A_455 = arith.constant 49 : i32
      %lt3A_456 = arith.cmpi slt, %scan3A_210, %lt3A_455 : i32
      %convert_element_type3A_457 = arith.extui %lt3A_456 : i1 to i32
      %cond3A_458 = arith.constant 0 : i32
      %cond3A_459 = arith.cmpi ne, %convert_element_type3A_457, %cond3A_458 : i32
      scf.if %cond3A_459 {
        %add3A_460 = arith.constant 2 : i32
        %add3A_461 = arith.addi %add3A_337, %add3A_460 : i32
        %mul3A_462 = arith.constant 32 : i32
        %mul3A_463 = arith.muli %add3A_461, %mul3A_462 : i32
        %add3A_464 = arith.addi %mul3A_463, %add3A : i32
        %jit3A_465 = arith.constant 128 : i32
        %div3A_466 = arith.divsi %add3A_464, %jit3A_465 : i32
        %sign3A_467 = arith.constant 0 : i32
        %sign3A_468 = arith.cmpi sgt, %add3A_464, %sign3A_467 : i32
        %sign3A_469 = arith.extui %sign3A_468 : i1 to i32
        %sign3A_470 = arith.constant 0 : i32
        %sign3A_471 = arith.cmpi slt, %add3A_464, %sign3A_470 : i32
        %sign3A_472 = arith.extui %sign3A_471 : i1 to i32
        %sign3A_473 = arith.subi %sign3A_469, %sign3A_472 : i32
        %sign3A_474 = arith.constant 0 : i32
        %sign3A_475 = arith.cmpi sgt, %jit3A_465, %sign3A_474 : i32
        %sign3A_476 = arith.extui %sign3A_475 : i1 to i32
        %sign3A_477 = arith.constant 0 : i32
        %sign3A_478 = arith.cmpi slt, %jit3A_465, %sign3A_477 : i32
        %sign3A_479 = arith.extui %sign3A_478 : i1 to i32
        %sign3A_480 = arith.subi %sign3A_476, %sign3A_479 : i32
        %ne3A_481 = arith.cmpi ne, %sign3A_473, %sign3A_480 : i32
        %rem3A_482 = arith.remsi %add3A_464, %jit3A_465 : i32
        %ne3A_483 = arith.constant 0 : i32
        %ne3A_484 = arith.cmpi ne, %rem3A_482, %ne3A_483 : i32
        %and3A_485 = arith.andi %ne3A_481, %ne3A_484 : i1
        %sub3A_486 = arith.constant 1 : i32
        %sub3A_487 = arith.subi %div3A_466, %sub3A_486 : i32
        %select_n3A_488 = arith.select %and3A_485, %sub3A_487, %div3A_466 : i32
        %jit3A_489 = arith.constant 128 : i32
        %eq3A_490 = arith.constant 0 : i32
        %eq3A_491 = arith.cmpi eq, %jit3A_489, %eq3A_490 : i32
        %jit3A_492 = arith.constant 1 : i32
        %select_n3A_493 = arith.select %eq3A_491, %jit3A_492, %jit3A_489 : i32
        %rem3A_494 = arith.remsi %add3A_464, %select_n3A_493 : i32
        %ne3A_495 = arith.constant 0 : i32
        %ne3A_496 = arith.cmpi ne, %rem3A_494, %ne3A_495 : i32
        %lt3A_497 = arith.constant 0 : i32
        %lt3A_498 = arith.cmpi slt, %rem3A_494, %lt3A_497 : i32
        %lt3A_499 = arith.constant 0 : i32
        %lt3A_500 = arith.cmpi slt, %select_n3A_493, %lt3A_499 : i32
        %ne3A_501 = arith.xori %lt3A_498, %lt3A_500 : i1
        %and3A_502 = arith.andi %ne3A_501, %ne3A_496 : i1
        %add3A_503 = arith.addi %rem3A_494, %select_n3A_493 : i32
        %select_n3A_504 = arith.select %and3A_502, %add3A_503, %rem3A_494 : i32
        %mul3A_505 = arith.constant 8 : i32
        %mul3A_506 = arith.muli %select_n3A_488, %mul3A_505 : i32
        %mul3A_507 = arith.constant 128 : i32
        %mul3A_508 = arith.muli %select_n3A_504, %mul3A_507 : i32
        %dma_start3A_509 = arith.constant 1 : i32
        %dma_start3A_510 = tpu.memref_slice %arg2[%mul3A_506, %mul3A_508] : memref<200x16384xi32, #tpu.memory_space<hbm>> -> memref<8x128xi32, #tpu.memory_space<hbm>>
        %dma_start3A_511 = tpu.memref_slice %arg10[%dma_start3A_509] : memref<2x!tpu.dma_semaphore, #tpu.memory_space<semaphore_mem>> -> memref<1x!tpu.dma_semaphore, #tpu.memory_space<semaphore_mem>>
        %dma_start3A_512 = tpu.memref_squeeze %dma_start3A_511 : memref<1x!tpu.dma_semaphore, #tpu.memory_space<semaphore_mem>> -> memref<!tpu.dma_semaphore, #tpu.memory_space<semaphore_mem>>
        %dma_start3A_513 = tpu.memref_slice %arg2[%mul3A_506, %mul3A_508] : memref<200x16384xi32, #tpu.memory_space<hbm>> -> memref<8x128xi32, #tpu.memory_space<hbm>>
        tpu.enqueue_dma source(%dma_start3A_513 : memref<8x128xi32, #tpu.memory_space<hbm>>) target(%arg7 : memref<8x128xi32, #tpu.memory_space<vmem>>) target_semaphore(%dma_start3A_512 : memref<!tpu.dma_semaphore, #tpu.memory_space<semaphore_mem>>)
      } else {
      }
    }
    %scan3A_104 = arith.constant 50 : i32
    %add3A_105 = arith.constant 3136 : i32
    %add3A_106 = arith.addi %add3A_105, %add3A : i32
    %jit3A_107 = arith.constant 128 : i32
    %div3A_108 = arith.divsi %add3A_106, %jit3A_107 : i32
    %sign3A_109 = arith.constant 0 : i32
    %sign3A_110 = arith.cmpi sgt, %add3A_106, %sign3A_109 : i32
    %sign3A_111 = arith.extui %sign3A_110 : i1 to i32
    %sign3A_112 = arith.constant 0 : i32
    %sign3A_113 = arith.cmpi slt, %add3A_106, %sign3A_112 : i32
    %sign3A_114 = arith.extui %sign3A_113 : i1 to i32
    %sign3A_115 = arith.subi %sign3A_111, %sign3A_114 : i32
    %sign3A_116 = arith.constant 0 : i32
    %sign3A_117 = arith.cmpi sgt, %jit3A_107, %sign3A_116 : i32
    %sign3A_118 = arith.extui %sign3A_117 : i1 to i32
    %sign3A_119 = arith.constant 0 : i32
    %sign3A_120 = arith.cmpi slt, %jit3A_107, %sign3A_119 : i32
    %sign3A_121 = arith.extui %sign3A_120 : i1 to i32
    %sign3A_122 = arith.subi %sign3A_118, %sign3A_121 : i32
    %ne3A_123 = arith.cmpi ne, %sign3A_115, %sign3A_122 : i32
    %rem3A_124 = arith.remsi %add3A_106, %jit3A_107 : i32
    %ne3A_125 = arith.constant 0 : i32
    %ne3A_126 = arith.cmpi ne, %rem3A_124, %ne3A_125 : i32
    %and3A_127 = arith.andi %ne3A_123, %ne3A_126 : i1
    %sub3A_128 = arith.constant 1 : i32
    %sub3A_129 = arith.subi %div3A_108, %sub3A_128 : i32
    %select_n3A_130 = arith.select %and3A_127, %sub3A_129, %div3A_108 : i32
    %jit3A_131 = arith.constant 128 : i32
    %eq3A_132 = arith.constant 0 : i32
    %eq3A_133 = arith.cmpi eq, %jit3A_131, %eq3A_132 : i32
    %jit3A_134 = arith.constant 1 : i32
    %select_n3A_135 = arith.select %eq3A_133, %jit3A_134, %jit3A_131 : i32
    %rem3A_136 = arith.remsi %add3A_106, %select_n3A_135 : i32
    %ne3A_137 = arith.constant 0 : i32
    %ne3A_138 = arith.cmpi ne, %rem3A_136, %ne3A_137 : i32
    %lt3A_139 = arith.constant 0 : i32
    %lt3A_140 = arith.cmpi slt, %rem3A_136, %lt3A_139 : i32
    %lt3A_141 = arith.constant 0 : i32
    %lt3A_142 = arith.cmpi slt, %select_n3A_135, %lt3A_141 : i32
    %ne3A_143 = arith.xori %lt3A_140, %lt3A_142 : i1
    %and3A_144 = arith.andi %ne3A_143, %ne3A_138 : i1
    %add3A_145 = arith.addi %rem3A_136, %select_n3A_135 : i32
    %select_n3A_146 = arith.select %and3A_144, %add3A_145, %rem3A_136 : i32
    %mul3A_147 = arith.constant 8 : i32
    %mul3A_148 = arith.muli %select_n3A_130, %mul3A_147 : i32
    %mul3A_149 = arith.constant 128 : i32
    %mul3A_150 = arith.muli %select_n3A_146, %mul3A_149 : i32
    %dma_wait3A = arith.constant 0 : i32
    %dma_wait3A_151 = arith.constant 0 : i32
    %dma_wait3A_152 = tpu.memref_slice %arg4[%dma_wait3A_151, %mul3A_148, %mul3A_150] : memref<50x200x16384xf32, #tpu.memory_space<hbm>> -> memref<50x8x128xf32, #tpu.memory_space<hbm>>
    %dma_wait3A_153 = tpu.memref_slice %arg11[%dma_wait3A] : memref<2x!tpu.dma_semaphore, #tpu.memory_space<semaphore_mem>> -> memref<1x!tpu.dma_semaphore, #tpu.memory_space<semaphore_mem>>
    %dma_wait3A_154 = tpu.memref_squeeze %dma_wait3A_153 : memref<1x!tpu.dma_semaphore, #tpu.memory_space<semaphore_mem>> -> memref<!tpu.dma_semaphore, #tpu.memory_space<semaphore_mem>>
    %dma_wait3A_155 = arith.constant 0 : i32
    %dma_wait3A_156 = tpu.memref_slice %arg4[%dma_wait3A_155, %mul3A_148, %mul3A_150] : memref<50x200x16384xf32, #tpu.memory_space<hbm>> -> memref<50x8x128xf32, #tpu.memory_space<hbm>>
    tpu.wait_dma2 semaphore(%dma_wait3A_154 : memref<!tpu.dma_semaphore, #tpu.memory_space<semaphore_mem>>) src(%arg8 : memref<50x8x128xf32, #tpu.memory_space<vmem>>) dst(%dma_wait3A_156 : memref<50x8x128xf32, #tpu.memory_space<hbm>>)
    %add3A_157 = arith.constant 3168 : i32
    %add3A_158 = arith.addi %add3A_157, %add3A : i32
    %jit3A_159 = arith.constant 128 : i32
    %div3A_160 = arith.divsi %add3A_158, %jit3A_159 : i32
    %sign3A_161 = arith.constant 0 : i32
    %sign3A_162 = arith.cmpi sgt, %add3A_158, %sign3A_161 : i32
    %sign3A_163 = arith.extui %sign3A_162 : i1 to i32
    %sign3A_164 = arith.constant 0 : i32
    %sign3A_165 = arith.cmpi slt, %add3A_158, %sign3A_164 : i32
    %sign3A_166 = arith.extui %sign3A_165 : i1 to i32
    %sign3A_167 = arith.subi %sign3A_163, %sign3A_166 : i32
    %sign3A_168 = arith.constant 0 : i32
    %sign3A_169 = arith.cmpi sgt, %jit3A_159, %sign3A_168 : i32
    %sign3A_170 = arith.extui %sign3A_169 : i1 to i32
    %sign3A_171 = arith.constant 0 : i32
    %sign3A_172 = arith.cmpi slt, %jit3A_159, %sign3A_171 : i32
    %sign3A_173 = arith.extui %sign3A_172 : i1 to i32
    %sign3A_174 = arith.subi %sign3A_170, %sign3A_173 : i32
    %ne3A_175 = arith.cmpi ne, %sign3A_167, %sign3A_174 : i32
    %rem3A_176 = arith.remsi %add3A_158, %jit3A_159 : i32
    %ne3A_177 = arith.constant 0 : i32
    %ne3A_178 = arith.cmpi ne, %rem3A_176, %ne3A_177 : i32
    %and3A_179 = arith.andi %ne3A_175, %ne3A_178 : i1
    %sub3A_180 = arith.constant 1 : i32
    %sub3A_181 = arith.subi %div3A_160, %sub3A_180 : i32
    %select_n3A_182 = arith.select %and3A_179, %sub3A_181, %div3A_160 : i32
    %jit3A_183 = arith.constant 128 : i32
    %eq3A_184 = arith.constant 0 : i32
    %eq3A_185 = arith.cmpi eq, %jit3A_183, %eq3A_184 : i32
    %jit3A_186 = arith.constant 1 : i32
    %select_n3A_187 = arith.select %eq3A_185, %jit3A_186, %jit3A_183 : i32
    %rem3A_188 = arith.remsi %add3A_158, %select_n3A_187 : i32
    %ne3A_189 = arith.constant 0 : i32
    %ne3A_190 = arith.cmpi ne, %rem3A_188, %ne3A_189 : i32
    %lt3A_191 = arith.constant 0 : i32
    %lt3A_192 = arith.cmpi slt, %rem3A_188, %lt3A_191 : i32
    %lt3A_193 = arith.constant 0 : i32
    %lt3A_194 = arith.cmpi slt, %select_n3A_187, %lt3A_193 : i32
    %ne3A_195 = arith.xori %lt3A_192, %lt3A_194 : i1
    %and3A_196 = arith.andi %ne3A_195, %ne3A_190 : i1
    %add3A_197 = arith.addi %rem3A_188, %select_n3A_187 : i32
    %select_n3A_198 = arith.select %and3A_196, %add3A_197, %rem3A_188 : i32
    %mul3A_199 = arith.constant 8 : i32
    %mul3A_200 = arith.muli %select_n3A_182, %mul3A_199 : i32
    %mul3A_201 = arith.constant 128 : i32
    %mul3A_202 = arith.muli %select_n3A_198, %mul3A_201 : i32
    %dma_wait3A_203 = arith.constant 1 : i32
    %dma_wait3A_204 = arith.constant 0 : i32
    %dma_wait3A_205 = tpu.memref_slice %arg4[%dma_wait3A_204, %mul3A_200, %mul3A_202] : memref<50x200x16384xf32, #tpu.memory_space<hbm>> -> memref<50x8x128xf32, #tpu.memory_space<hbm>>
    %dma_wait3A_206 = tpu.memref_slice %arg11[%dma_wait3A_203] : memref<2x!tpu.dma_semaphore, #tpu.memory_space<semaphore_mem>> -> memref<1x!tpu.dma_semaphore, #tpu.memory_space<semaphore_mem>>
    %dma_wait3A_207 = tpu.memref_squeeze %dma_wait3A_206 : memref<1x!tpu.dma_semaphore, #tpu.memory_space<semaphore_mem>> -> memref<!tpu.dma_semaphore, #tpu.memory_space<semaphore_mem>>
    %dma_wait3A_208 = arith.constant 0 : i32
    %dma_wait3A_209 = tpu.memref_slice %arg4[%dma_wait3A_208, %mul3A_200, %mul3A_202] : memref<50x200x16384xf32, #tpu.memory_space<hbm>> -> memref<50x8x128xf32, #tpu.memory_space<hbm>>
    tpu.wait_dma2 semaphore(%dma_wait3A_207 : memref<!tpu.dma_semaphore, #tpu.memory_space<semaphore_mem>>) src(%arg9 : memref<50x8x128xf32, #tpu.memory_space<vmem>>) dst(%dma_wait3A_209 : memref<50x8x128xf32, #tpu.memory_space<hbm>>)
    return
  }
}

</mosaic_0001>

<sc_bundles>
// kernel: kernel.3.cloned.1.call-start
scs
__scs_entry_jumppad:
0x0: {  	(pc) =	sbr.rel $0x88, $3  }
0x1: {  	(tag) =	ssettag $0x0;
	lr =	simm.s32 $0x1  }
0x2: {  	[smem:$0x3F9F] =	sst lr;
	_ =	strace $0xD0000000  }
0x3: {  	_ = 	snop  }
0x4: {  	_ = 	snop  }
0x5: {  	_ = 	snop  }
0x6: {  	_ = 	snop  }
0x7: {  	_ = 	snop  }
__scs_overlays_trampoline_lowered:
0x8: {  	[smem:$0x3FAE] =	sst s0  }
0x9: {  	[smem:$0x3FAF] =	sst s1  }
0xa: {  	[smem:$0x3FB0] =	sst s2  }
0xb: {  	[smem:$0x3FB1] =	sst s3  }
0xc: {  	[smem:$0x3FB2] =	sst s4  }
0xd: {  	[smem:$0x3FB3] =	sst s5  }
0xe: {  	[smem:$0x3FB4] =	sst s6  }
0xf: {  	[smem:$0x3FB5] =	sst s7  }
0x10: {  	[smem:$0x3FB6] =	sst s8  }
0x11: {  	[smem:$0x3FB7] =	sst s9;
	s0 =	simm.s32 @!p0 $0x0  }
0x12: {  	s1 =	sld [smem:$0x3F9D];
	s0 =	simm.s32 @p0 $0x1  }
0x13: {  	[smem:$0x3FB8] =	sst s0;
	s0 =	simm.s32 @!p1 $0x0  }
0x14: {  	s2 =	sld [smem:$0x3F9C];
	s0 =	simm.s32 @p1 $0x1  }
0x15: {  	[smem:$0x3FB9] =	sst s0;
	s0 =	simm.s32 @!p2 $0x0  }
0x16: {  	s3 =	sld [smem:$0x3FDB];
	s0 =	simm.s32 @p2 $0x1  }
0x17: {  	s4 =	simm.s32 $0x1BF5;
	[smem:$0x3FBB] =	sst s0  }
0x18: {  	s0 =	sld [smem:$0x3F9E];
	_ =	swait.ge [sflag:s4], $0x0  }
0x19: {  	s7 =	sld [smem:$0x3F9F]  }
0x1a: {  	s8 =	sadd.s32 $0xFFFFE003, lr  }
0x1b: {  	s9 =	sadd.s32 $0xFFFFFEF7, lr;
	s5 =	simm.s32 $0xFFFFFFFF;
	p2 =	slt.u32 s8, $0xFFFFF086  }
0x1c: {  	p1 =	slt.u32 s9, $0xF7A;
	s5 =	simm.s32 @!p2 $0x0  }
0x1d: {  	s5 =	simm.s32 @p1 $0x1;
	p0 =	seq.s32 s7, s2  }
0x1e: {  	s7 =	smul.u32 @!p0 $0xF7A, s2;
	p2 =	seq.s32 @!p0 s5, $0x0  }
0x1f: {  	s9 =	smul.u32 $0xF7A, s1;
	s8 =	simm.s32 @!p0 $0x1BF5;
	p2 =	por !p2, p0  }
0x20: {  	[sflag:s8] =	ssyncset.s32 @!p0 $0xFFFFF086;
	s6 =	sadd.s32 @!p0 s3, s7;
	s7 =	simm.s32 @!p0 $0x108  }
0x21: {  	s3 =	sadd.s32 s3, s9;
	s6 =	sadd.s32 @!p0 $0x88, s6;
	s7 =	simm.s32 @p2 $0x1082  }
0x22: {  	[simem:s7], [sflag:s8] =	dma.local @!p0 [hbm:s6], $0xF7A  }
0x23: {  	s9 =	sor.u32 $0xD0000000, s2;
	s6 =	simm.s32 $0x108;
	_ =	swait.ge @!p0 [sflag:s8], $0x0  }
0x24: {  	s3 =	sadd.s32 $0x88, s3;
	s6 =	simm.s32 @!p1 $0x1082;
	[sflag:s4] =	ssyncset.s32 $0xFFFFF086  }
0x25: {  	[simem:s6], [sflag:s4] =	dma.local [hbm:s3], $0xF7A  }
0x26: {  	[smem:$0x3F9F] =	sst s1;
	(tag) =	ssettag s2;
	_ =	strace s9  }
0x27: {  	s1 =	sld [smem:$0x3FAF]  }
0x28: {  	s2 =	sld [smem:$0x3FB0]  }
0x29: {  	s4 =	sld [smem:$0x3FB2]  }
0x2a: {  	p0 =	seq.s32 s5, $0x0;
	s5 =	sld [smem:$0x3FB3]  }
0x2b: {  	s6 =	sld [smem:$0x3FB4]  }
0x2c: {  	s7 =	sld [smem:$0x3FB5]  }
0x2d: {  	s3 =	simm.s32 $0x108;
	s8 =	sld [smem:$0x3FB6]  }
0x2e: {  	s3 =	simm.s32 @!p0 $0x1082;
	s9 =	sld [smem:$0x3FB7]  }
0x2f: {  	lr =	sadd.s32 s0, s3;
	s0 =	sld [smem:$0x3FAE]  }
0x30: {  	s3 =	sld [smem:$0x3FB1]  }
0x31: {  	[smem:$0x3FBA] =	sst s10  }
0x32: {  	s10 =	sld [smem:$0x3FB8];
	_ =	sdelay $0x3  }
0x33: {  	p0 =	seq.s32 s10, $0x1;
	s10 =	sld [smem:$0x3FBA];
	_ =	sdelay $0x3  }
0x34: {  	[smem:$0x3FBA] =	sst s10  }
0x35: {  	s10 =	sld [smem:$0x3FB9];
	_ =	sdelay $0x3  }
0x36: {  	p1 =	seq.s32 s10, $0x1;
	s10 =	sld [smem:$0x3FBA];
	_ =	sdelay $0x3  }
0x37: {  	[smem:$0x3FBA] =	sst s10  }
0x38: {  	s10 =	sld [smem:$0x3FBB]  }
0x39: {  	_ = 	snop;
	(pc) =	sbr.ind lr, $3  }
0x3a: {  	_ = 	snop  }
0x3b: {  	_ = 	snop  }
0x3c: {  	p2 =	seq.s32 s10, $0x1;
	s10 =	sld [smem:$0x3FBA]  }
0x3d: {  	_ =	shalt  }
0x3e: {  	_ =	shalt  }
0x3f: {  	_ =	shalt  }
0x40: {  	_ =	shalt  }
0x41: {  	_ =	shalt  }
0x42: {  	_ =	shalt  }
0x43: {  	_ =	shalt  }
0x44: {  	_ =	shalt  }
0x45: {  	_ =	shalt  }
0x46: {  	_ =	shalt  }
0x47: {  	_ =	shalt  }
0x48: {  	_ =	shalt  }
0x49: {  	_ =	shalt  }
0x4a: {  	_ =	shalt  }
0x4b: {  	_ =	shalt  }
0x4c: {  	_ =	shalt  }
0x4d: {  	_ =	shalt  }
0x4e: {  	_ =	shalt  }
0x4f: {  	_ =	shalt  }
0x50: {  	_ =	shalt  }
0x51: {  	_ =	shalt  }
0x52: {  	_ =	shalt  }
0x53: {  	_ =	shalt  }
0x54: {  	_ =	shalt  }
0x55: {  	_ =	shalt  }
0x56: {  	_ =	shalt  }
0x57: {  	_ =	shalt  }
0x58: {  	_ =	shalt  }
0x59: {  	_ =	shalt  }
0x5a: {  	_ =	shalt  }
0x5b: {  	_ =	shalt  }
0x5c: {  	_ =	shalt  }
0x5d: {  	_ =	shalt  }
0x5e: {  	_ =	shalt  }
0x5f: {  	_ =	shalt  }
0x60: {  	_ =	shalt  }
0x61: {  	_ =	shalt  }
0x62: {  	_ =	shalt  }
0x63: {  	_ =	shalt  }
0x64: {  	_ =	shalt  }
0x65: {  	_ =	shalt  }
0x66: {  	_ =	shalt  }
0x67: {  	_ =	shalt  }
0x68: {  	_ =	shalt  }
0x69: {  	_ =	shalt  }
0x6a: {  	_ =	shalt  }
0x6b: {  	_ =	shalt  }
0x6c: {  	_ =	shalt  }
0x6d: {  	_ =	shalt  }
0x6e: {  	_ =	shalt  }
0x6f: {  	_ =	shalt  }
0x70: {  	_ =	shalt  }
0x71: {  	_ =	shalt  }
0x72: {  	_ =	shalt  }
0x73: {  	_ =	shalt  }
0x74: {  	_ =	shalt  }
0x75: {  	_ =	shalt  }
0x76: {  	_ =	shalt  }
0x77: {  	_ =	shalt  }
0x78: {  	_ =	shalt  }
0x79: {  	_ =	shalt  }
0x7a: {  	_ =	shalt  }
0x7b: {  	_ =	shalt  }
0x7c: {  	_ =	shalt  }
0x7d: {  	_ =	shalt  }
0x7e: {  	_ =	shalt  }
0x7f: {  	_ =	shalt  }
0x80: {  	_ =	shalt  }
0x81: {  	_ =	shalt  }
0x82: {  	_ =	shalt  }
0x83: {  	_ =	shalt  }
0x84: {  	_ =	shalt  }
0x85: {  	_ =	shalt  }
0x86: {  	_ =	shalt  }
0x87: {  	_ =	shalt  }
.Lfunc_end0:
.L_simem_size_0:
called_computation_lowered:
.L_overlay_start_0:
0x88: {  	s2 =	sld [smem:$0x3FD9]  }
0x89: {  	s3 =	sld [smem:$0x3FFE];
	_ =	sdelay $0x1  }
0x8a: {  	s1 =	srdreg.scid  }
0x8b: {  	s0 =	sand.u32 $0x1, s1  }
0x8c: {  	s17 =	sshll.u32 s0, $0xA;
	s2 =	sadd.s32 s3, s2  }
0x8d: {  	s2 =	sadd.s32 s2, s17  }
0x8e: {  	[smem:$0x3FC6] =	sst s2  }
0x8f: {  	_ = 	snop  }
0x90: {  	s2 =	sld [smem:$0x3FC9]  }
0x91: {  	s18 =	sld [smem:$0x3FD0];
	(tm) =	ssettm $0x1  }
0x92: {  	s4 =	sld [smem:$0x3FFB];
	_ =	sdelay $0x3  }
0x93: {  	_ =	strace s4  }
0x94: {  	s4 =	sld [smem:$0x3FFC];
	_ =	sdelay $0x3  }
0x95: {  	_ =	strace s4  }
0x96: {  	s4 =	sld [smem:$0x3FFD];
	_ =	sdelay $0x3  }
0x97: {  	_ =	strace s4  }
0x98: {  	_ =	strace $0x8FFFFFFF  }
0x99: {  	s19 =	sld [smem:$0x3FDB];
	_ =	sdelay $0x1  }
0x9a: {  	s5 =	simm.s32 $_scs_section_size  }
0x9b: {  	s6 =	simm.s32 $_size__tile_overlayer_lowered;
	s7 =	simm.s32 $_tile_overlayer_lowered  }
0x9c: {  	s22 =	simm.s32 $0x1BFF;
	s21 =	sshll.u32 s7, $0x1;
	s4 =	sadd.s32 s5, s19  }
0x9d: {  	s8 =	simm.s32 $0x0;
	s20 =	sshll.u32 s6, $0x1;
	s6 =	sadd.s32 s21, s4  }
0x9e: {  	[timem:s8], [sflag:s22] =	dma.local [hbm:s6], s20  }
0x9f: {  	_ =	swait.ge [sflag:s22], s20  }
0xa0: {  	s5 =	ssub.s32 $0x0, s20;
	[sflag:s22] =	ssyncset.done $0x0  }
0xa1: {  	[sflag:s22] =	ssyncadd.s32 s5;
	_ =	sdelay $0x1  }
0xa2: {  	s23 =	simm.s32 $0x1B8B  }
0xa3: {  	_ =	swait.ge [sflag:s23], $0x1  }
0xa4: {  	[sflag:s23] =	ssyncset.done $0x0  }
0xa5: {  	s25 =	simm.s32 $0x1B8E;
	s24 =	sld [smem:$0x3FFE];
	[sflag:s23] =	ssyncadd.s32 $0xFFFFFFFF  }
0xa6: {  	s26 =	simm.s32 $execute0_lowered;
	[smem:$0x3FD2] =	sst s25  }
0xa7: {  	s6 =	sshll.u32 s26, $0x1;
	_ =	strace $0x80000046;
	[dreg:$0x1] =	wrdreg $0xFFFFFFFF  }
0xa8: {  	s28 =	simm.s32 $_size_execute0_lowered;
	s4 =	sadd.s32 s4, s6;
	[dreg:$0x0] =	wrdreg $0x0  }
0xa9: {  	s6 =	sshll.u32 s28, $0x1;
	[dreg:$0x2] =	wrdreg s4  }
0xaa: {  	[dreg:$0x3] =	wrdreg s6  }
0xab: {  	[dreg:$0x4] =	wrdreg $0xC0  }
0xac: {  	_ =	task [dreg:s8], $0x5FFFF  }
0xad: {  	[dreg:$0x1] =	wrdreg $0xFFFFFFFF  }
0xae: {  	[dreg:$0x0] =	wrdreg $0x60  }
0xaf: {  	[dreg:$0x2] =	wrdreg s2  }
0xb0: {  	[dreg:$0x3] =	wrdreg s24  }
0xb1: {  	[dreg:$0x4] =	wrdreg s18  }
0xb2: {  	[dreg:$0x5] =	wrdreg $0x9  }
0xb3: {  	_ =	task.clear_ibuf [dreg:s8], $0x6FFFF;
	_ =	strace $0x90000046  }
0xb4: {  	s29 =	simm.s32 $0x9;
	_ =	strace $0x80000048  }
0xb5: {  	_ =	swait.ge [sflag:s29], $0x1  }
0xb6: {  	[sflag:s29] =	ssyncadd.s32 $0xFFFFFFFF  }
0xb7: {  	_ =	strace $0x90000048  }
0xb8: {  	_ =	sfence  }
0xb9: {  	s30 =	sld [smem:$0x0];
	_ =	sdelay $0x2  }
0xba: {  	s31 =	sshll.u32 s1, $0xD;
	s1 =	sshrl.u32 s1, $0x2  }
0xbb: {  	s3 =	sand.u32 $0x4000, s31;
	s1 =	sadd.s32 s1, s30  }
0xbc: {  	s0 =	sor.u32 s3, s0;
	s1 =	sshll.u32 s1, $0x11  }
0xbd: {  	s0 =	sor.u32 s1, s0  }
0xbe: {  	s0 =	sadd.s32 $0x8F2B, s0  }
0xbf: {  	[sflag:s0] =	ssyncadd.remote.s32 $0x1  }
0xc0: {  	_ =	sfence.sel $0xFFFF  }
0xc1: {  	[dreg:$0x0] =	wrdreg $0xFFFFFFFF;
	(pc) =	sbr.abs _section_cstart, $3  }
0xc2: {  	[dreg:$0x1] =	wrdreg $0xFFFFFFFF  }
0xc3: {  	_ =	task.clear_ibuf [dreg:s8], $0x2FFFF;
	_ =	strace $0x9FFFFFFF  }
0xc4: {  	(tm) =	ssettm $0x7FFFFFFF  }
0xc5: {  	_ =	shalt  }
tec
execute0_lowered:
.L_overlay_start_1:
0x0: {  	(tag) =	ssettag $0x1  }
0x1: {  	v0 =	vlaneseq.u32  }
0x2: {  	v1 =	vimm.f32 $0.0e+00;
	v2 =	vor.u32 $0x400, v0  }
0x3: {  	v3 =	vor.u32 $0x800, v0;
	v4 =	vor.u32 $0xC00, v0;
	v5 =	vor.u32 $0x1000, v0  }
0x4: {  	v6 =	vor.u32 $0x1400, v0;
	v7 =	vor.u32 $0x1800, v0;
	v8 =	vor.u32 $0x1C00, v0  }
0x5: {  	v9 =	vor.u32 $0x2000, v0;
	v10 =	vor.u32 $0x2400, v0;
	v11 =	vor.u32 $0x2800, v0  }
0x6: {  	s0 =	rddreg [dreg:$0x0];
	v12 =	vor.u32 $0x2C00, v0;
	v13 =	vor.u32 $0x3000, v0;
	v14 =	vor.u32 $0x3400, v0  }
0x7: {  	s7 =	rddreg [dreg:$0x1];
	s2 =	srdreg.scid;
	v15 =	vor.u32 $0x3800, v0;
	v16 =	vor.u32 $0x3C00, v0;
	v17 =	vor.u32 $0x4000, v0  }
0x8: {  	s1 =	stileid.u32;
	s3 =	rddreg [dreg:$0x2];
	v18 =	vor.u32 $0x4400, v0;
	v19 =	vor.u32 $0x4800, v0;
	v20 =	vor.u32 $0x4C00, v0  }
0x9: {  	s4 =	simm.s32 $0x0;
	s12 =	simm.s32 $0x5;
	s13 =	simm.s32 $0x1400;
	v21 =	vor.u32 $0x5000, v0;
	v22 =	vor.u32 $0x5400, v0;
	v23 =	vor.u32 $0x5800, v0  }
0xa: {  	s14 =	simm.s32 $0x1800;
	s15 =	simm.s32 $0x1;
	s16 =	simm.s32 $0x1C00;
	v24 =	vor.u32 $0x5C00, v0;
	v25 =	vor.u32 $0x6000, v0;
	v26 =	vor.u32 $0x6400, v0  }
0xb: {  	s17 =	simm.s32 $0x400;
	s18 =	simm.s32 $0x320000;
	s19 =	simm.s32 $0x2;
	v27 =	vor.u32 $0x6800, v0;
	v28 =	vor.u32 $0x6C00, v0;
	v29 =	vor.u32 $0x7000, v0  }
0xc: {  	s20 =	simm.s32 $0x4;
	s21 =	simm.s32 $0xE400;
	s22 =	simm.s32 $0x3;
	v30 =	vor.u32 $0x7400, v0;
	v31 =	vor.u32 $0x7800, v0;
	v32 =	vor.u32 $0x7C00, v0  }
0xd: {  	s23 =	simm.s32 $0x0;
	s5 =	sand.u32 $0x1, s2;
	s2 =	rddreg [dreg:$0x3];
	v33 =	vor.u32 $0x8000, v0;
	v34 =	vor.u32 $0x8400, v0;
	v35 =	vor.u32 $0x8800, v0  }
.Ltmp0:
0xe: {  	s6 =	sshll.u32 s1, $0x1;
	[smem:$0x7FF] =	sst s4;
	v36 =	vor.u32 $0x8C00, v0;
	v37 =	vor.u32 $0x9000, v0;
	v38 =	vor.u32 $0x9400, v0;
	(pc) =	sbr.rel .LBB2_1-.Ltmp0, $4  }
0xf: {  	s7 =	sadd.s32 $0x400, s7;
	v39 =	vor.u32 $0x9800, v0;
	v40 =	vor.u32 $0x9C00, v0;
	v41 =	vor.u32 $0xA000, v0;
	s10 =	sor.u32 s5, s6;
	s8 =	ssub.s32 $0x2, s5  }
0x10: {  	v42 =	vor.u32 $0xA400, v0;
	v43 =	vor.u32 $0xA800, v0;
	v44 =	vor.u32 $0xAC00, v0;
	_ =	strace $0x80000047;
	s5 =	sshll.u32 s10, $0x7;
	s9 =	sshrl.u32 s8, $0x1  }
0x11: {  	v45 =	vor.u32 $0xB000, v0;
	v46 =	vor.u32 $0xB400, v0;
	v47 =	vor.u32 $0xB800, v0;
	s6 =	sadd.s32 s0, s5;
	s11 =	ssub.s32 s8, s9;
	s9 =	sor.u32 $0x40, s10  }
0x12: {  	v48 =	vor.u32 $0xBC00, v0;
	v49 =	vor.u32 $0xC000, v0;
	v50 =	vor.u32 $0xC400, v0;
	s10 =	sor.u32 $0x60, s10;
	s8 =	sadd.s32 $0x1000, s6;
	s11 =	smax.u32 s11, $0x1  }
.LBB2_12:
0x13: {  	s23 =	sadd.s32 $0x1, s23  }
0x14: {  	_ =	swait.ge [sflag:s22], $0xC800;
	p0 =	sne.s32 s23, s11  }
.Ltmp1:
0x15: {  	[sflag:s22] =	ssyncset.done $0x0;
	(pc) =	sbr.rel @!p0 .LBB2_13-.Ltmp1, $4  }
0x16: {  	[sflag:s22] =	ssyncadd.s32 $0xFFFF3800  }
0x17: {  	_ =	swait.ge [sflag:s20], $0xC800  }
0x18: {  	[sflag:s20] =	ssyncset.done $0x0  }
0x19: {  	[sflag:s20] =	ssyncadd.s32 $0xFFFF3800  }
.LBB2_1:
0x1a: {  	[tilespmem:s4], [sflag:$0x5] =	stream.linear.gather [hbm4b:s7+s4], $0x1400, $0x38;
	[tilespmem:$0x1AC00] =	vst v63  }
0x1b: {  	_ =	swait.ge [sflag:s12], $0x1400  }
0x1c: {  	[sflag:s12] =	ssyncset.done $0x0  }
0x1d: {  	[sflag:s12] =	ssyncadd.s32 $0xFFFFEC00  }
0x1e: {  	[tilespmem:$0xC8] =	vst v1  }
0x1f: {  	[tilespmem:$0xD8] =	vst v1  }
0x20: {  	[tilespmem:$0xE8] =	vst v1  }
0x21: {  	[tilespmem:$0xEA] =	vst v1  }
0x22: {  	[tilespmem:s13], [sflag:$0x1] =	stream.linear.gather [hbm4b:s6+s4], $0x400, $0x38;
	[tilespmem:$0x1AC00] =	vst v63  }
0x23: {  	s24 =	simm.s32 $0x0  }
0x24: {  	[tilespmem:s14], [sflag:$0x2] =	stream.linear.gather [hbm4b:s8+s4], $0x400, $0x38;
	[tilespmem:$0x1AC00] =	vst v63  }
.LBB2_2:
0x25: {  	_ =	swait.ge [sflag:s15], $0x400  }
0x26: {  	p0 =	seq.s32 s24, $0x0;
	[sflag:s15] =	ssyncset.done $0x0  }
0x27: {  	s26 =	simm.s32 @!p0 $0x3;
	[sflag:s15] =	ssyncadd.s32 $0xFFFFFC00  }
0x28: {  	_ =	swait.ge @!p0 [sflag:s26], $0xC800  }
0x29: {  	s25 =	sshll.u32 s24, $0x6;
	[sflag:s26] =	ssyncset.done @!p0 $0x0  }
0x2a: {  	s28 =	simm.s32 $0x0;
	[sflag:s26] =	ssyncadd.s32 @!p0 $0xFFFF3800;
	s26 =	simm.s32 $0x0  }
.LBB2_3:
0x2b: {  	s29 =	sshll.u32 s28, $0x4  }
0x2c: {  	s30 =	sand.u32 $0x70, s26;
	s29 =	sand.u32 $0xFFFFFF80, s29  }
0x2d: {  	s29 =	sor.u32 s30, s29  }
0x2e: {  	v52 =	vor.u32 s29, v0;
	_ =	sdelay $0x4  }
0x2f: {  	v51 =	vld.idx.msk [tilespmem:v52+s13+$0x0], $0xffff;
	_ =	sdelay $0x4  }
0x30: {  	v51 =	vmul.u32 $0x32, v51;
	_ =	sdelay $0x1  }
0x31: {  	v53 =	vor.u32 $0x1, v51  }
0x32: {  	v54 =	vadd.s32 $0x2, v51  }
0x33: {  	v55 =	vadd.s32 $0x3, v51  }
0x34: {  	v56 =	vadd.s32 $0x4, v51  }
0x35: {  	v58 =	vadd.s32 $0x5, v51;
	v57 =	vld.idx.msk [tilespmem:v51+s4+$0x0], $0xffff  }
0x36: {  	v59 =	vadd.s32 $0x6, v51;
	v53 =	vld.idx.msk [tilespmem:v53+s4+$0x0], $0xffff  }
0x37: {  	v60 =	vadd.s32 $0x7, v51;
	v54 =	vld.idx.msk [tilespmem:v54+s4+$0x0], $0xffff  }
0x38: {  	v61 =	vor.u32 s29, v2;
	v55 =	vld.idx.msk [tilespmem:v55+s4+$0x0], $0xffff  }
0x39: {  	v62 =	vadd.s32 $0x8, v51;
	v56 =	vld.idx.msk [tilespmem:v56+s4+$0x0], $0xffff  }
0x3a: {  	v63 =	vor.u32 s29, v3;
	v58 =	vld.idx.msk [tilespmem:v58+s4+$0x0], $0xffff  }
0x3b: {  	v59 =	vld.idx.msk [tilespmem:v59+s4+$0x0], $0xffff;
	[tilespmem:v52+s16+$0x0] =	vst.idx.msk $0xffff, v57  }
0x3c: {  	v52 =	vadd.s32 $0x9, v51;
	v57 =	vld.idx.msk [tilespmem:v60+s4+$0x0], $0xffff;
	v60 =	vor.u32 s29, v4  }
0x3d: {  	[tilespmem:v61+s16+$0x0] =	vst.idx.msk $0xffff, v53  }
0x3e: {  	v53 =	vadd.s32 $0xA, v51;
	v61 =	vld.idx.msk [tilespmem:v62+s4+$0x0], $0xffff;
	v62 =	vor.u32 s29, v5  }
0x3f: {  	[tilespmem:v63+s16+$0x0] =	vst.idx.msk $0xffff, v54;
	v54 =	vadd.s32 $0xB, v51;
	v63 =	vor.u32 s29, v6;
	_ =	sdelay $0x1  }
0x40: {  	v52 =	vld.idx.msk [tilespmem:v52+s4+$0x0], $0xffff;
	[tilespmem:v60+s16+$0x0] =	vst.idx.msk $0xffff, v55;
	v55 =	vadd.s32 $0xC, v51;
	v60 =	vor.u32 s29, v7;
	_ =	sdelay $0x1  }
0x41: {  	v53 =	vld.idx.msk [tilespmem:v53+s4+$0x0], $0xffff;
	[tilespmem:v62+s16+$0x0] =	vst.idx.msk $0xffff, v56;
	v56 =	vadd.s32 $0xD, v51;
	v62 =	vor.u32 s29, v8  }
0x42: {  	v54 =	vld.idx.msk [tilespmem:v54+s4+$0x0], $0xffff;
	[tilespmem:v63+s16+$0x0] =	vst.idx.msk $0xffff, v58;
	v58 =	vadd.s32 $0xE, v51;
	v63 =	vor.u32 s29, v9;
	_ =	sdelay $0x1  }
0x43: {  	v55 =	vld.idx.msk [tilespmem:v55+s4+$0x0], $0xffff;
	[tilespmem:v60+s16+$0x0] =	vst.idx.msk $0xffff, v59;
	v59 =	vadd.s32 $0xF, v51;
	v60 =	vor.u32 s29, v10;
	_ =	sdelay $0x1  }
0x44: {  	v56 =	vld.idx.msk [tilespmem:v56+s4+$0x0], $0xffff;
	[tilespmem:v62+s16+$0x0] =	vst.idx.msk $0xffff, v57;
	v57 =	vadd.s32 $0x10, v51;
	v62 =	vor.u32 s29, v11  }
0x45: {  	v58 =	vld.idx.msk [tilespmem:v58+s4+$0x0], $0xffff;
	[tilespmem:v63+s16+$0x0] =	vst.idx.msk $0xffff, v61;
	v61 =	vadd.s32 $0x11, v51;
	v63 =	vor.u32 s29, v12;
	_ =	sdelay $0x1  }
0x46: {  	v59 =	vld.idx.msk [tilespmem:v59+s4+$0x0], $0xffff;
	[tilespmem:v60+s16+$0x0] =	vst.idx.msk $0xffff, v52;
	v52 =	vadd.s32 $0x12, v51;
	v60 =	vor.u32 s29, v13;
	_ =	sdelay $0x1  }
0x47: {  	v57 =	vld.idx.msk [tilespmem:v57+s4+$0x0], $0xffff;
	[tilespmem:v62+s16+$0x0] =	vst.idx.msk $0xffff, v53;
	v53 =	vadd.s32 $0x13, v51;
	v62 =	vor.u32 s29, v14  }
0x48: {  	v61 =	vld.idx.msk [tilespmem:v61+s4+$0x0], $0xffff;
	[tilespmem:v63+s16+$0x0] =	vst.idx.msk $0xffff, v54;
	v54 =	vadd.s32 $0x14, v51;
	v63 =	vor.u32 s29, v15;
	_ =	sdelay $0x1  }
0x49: {  	v52 =	vld.idx.msk [tilespmem:v52+s4+$0x0], $0xffff;
	[tilespmem:v60+s16+$0x0] =	vst.idx.msk $0xffff, v55;
	v55 =	vadd.s32 $0x15, v51;
	v60 =	vor.u32 s29, v16;
	_ =	sdelay $0x1  }
0x4a: {  	v53 =	vld.idx.msk [tilespmem:v53+s4+$0x0], $0xffff;
	[tilespmem:v62+s16+$0x0] =	vst.idx.msk $0xffff, v56;
	v56 =	vadd.s32 $0x16, v51;
	v62 =	vor.u32 s29, v17  }
0x4b: {  	v54 =	vld.idx.msk [tilespmem:v54+s4+$0x0], $0xffff;
	[tilespmem:v63+s16+$0x0] =	vst.idx.msk $0xffff, v58;
	v58 =	vadd.s32 $0x17, v51;
	v63 =	vor.u32 s29, v18;
	_ =	sdelay $0x1  }
0x4c: {  	v55 =	vld.idx.msk [tilespmem:v55+s4+$0x0], $0xffff;
	[tilespmem:v60+s16+$0x0] =	vst.idx.msk $0xffff, v59;
	v59 =	vadd.s32 $0x18, v51;
	v60 =	vor.u32 s29, v19;
	_ =	sdelay $0x1  }
0x4d: {  	v56 =	vld.idx.msk [tilespmem:v56+s4+$0x0], $0xffff;
	[tilespmem:v62+s16+$0x0] =	vst.idx.msk $0xffff, v57;
	v57 =	vadd.s32 $0x19, v51;
	v62 =	vor.u32 s29, v20  }
0x4e: {  	v58 =	vld.idx.msk [tilespmem:v58+s4+$0x0], $0xffff;
	[tilespmem:v63+s16+$0x0] =	vst.idx.msk $0xffff, v61;
	v61 =	vadd.s32 $0x1A, v51;
	v63 =	vor.u32 s29, v21;
	_ =	sdelay $0x1  }
0x4f: {  	v59 =	vld.idx.msk [tilespmem:v59+s4+$0x0], $0xffff;
	[tilespmem:v60+s16+$0x0] =	vst.idx.msk $0xffff, v52;
	v52 =	vadd.s32 $0x1B, v51;
	v60 =	vor.u32 s29, v22;
	_ =	sdelay $0x1  }
0x50: {  	v57 =	vld.idx.msk [tilespmem:v57+s4+$0x0], $0xffff;
	[tilespmem:v62+s16+$0x0] =	vst.idx.msk $0xffff, v53;
	v53 =	vadd.s32 $0x1C, v51;
	v62 =	vor.u32 s29, v23  }
0x51: {  	v61 =	vld.idx.msk [tilespmem:v61+s4+$0x0], $0xffff;
	[tilespmem:v63+s16+$0x0] =	vst.idx.msk $0xffff, v54;
	v54 =	vadd.s32 $0x1D, v51;
	v63 =	vor.u32 s29, v24;
	_ =	sdelay $0x1  }
0x52: {  	v52 =	vld.idx.msk [tilespmem:v52+s4+$0x0], $0xffff;
	[tilespmem:v60+s16+$0x0] =	vst.idx.msk $0xffff, v55;
	v55 =	vadd.s32 $0x1E, v51;
	v60 =	vor.u32 s29, v25;
	_ =	sdelay $0x1  }
0x53: {  	v53 =	vld.idx.msk [tilespmem:v53+s4+$0x0], $0xffff;
	[tilespmem:v62+s16+$0x0] =	vst.idx.msk $0xffff, v56;
	v56 =	vadd.s32 $0x1F, v51;
	v62 =	vor.u32 s29, v26  }
0x54: {  	v54 =	vld.idx.msk [tilespmem:v54+s4+$0x0], $0xffff;
	[tilespmem:v63+s16+$0x0] =	vst.idx.msk $0xffff, v58;
	v58 =	vadd.s32 $0x20, v51;
	v63 =	vor.u32 s29, v27;
	_ =	sdelay $0x1  }
0x55: {  	v55 =	vld.idx.msk [tilespmem:v55+s4+$0x0], $0xffff;
	[tilespmem:v60+s16+$0x0] =	vst.idx.msk $0xffff, v59;
	v59 =	vadd.s32 $0x21, v51;
	v60 =	vor.u32 s29, v28;
	_ =	sdelay $0x1  }
0x56: {  	v56 =	vld.idx.msk [tilespmem:v56+s4+$0x0], $0xffff;
	[tilespmem:v62+s16+$0x0] =	vst.idx.msk $0xffff, v57;
	v57 =	vadd.s32 $0x22, v51;
	v62 =	vor.u32 s29, v29  }
0x57: {  	v58 =	vld.idx.msk [tilespmem:v58+s4+$0x0], $0xffff;
	[tilespmem:v63+s16+$0x0] =	vst.idx.msk $0xffff, v61;
	v61 =	vadd.s32 $0x23, v51;
	v63 =	vor.u32 s29, v30;
	_ =	sdelay $0x1  }
0x58: {  	v59 =	vld.idx.msk [tilespmem:v59+s4+$0x0], $0xffff;
	[tilespmem:v60+s16+$0x0] =	vst.idx.msk $0xffff, v52;
	v52 =	vadd.s32 $0x24, v51;
	v60 =	vor.u32 s29, v31;
	_ =	sdelay $0x1  }
0x59: {  	v57 =	vld.idx.msk [tilespmem:v57+s4+$0x0], $0xffff;
	[tilespmem:v62+s16+$0x0] =	vst.idx.msk $0xffff, v53;
	v53 =	vadd.s32 $0x25, v51;
	v62 =	vor.u32 s29, v32  }
0x5a: {  	v61 =	vld.idx.msk [tilespmem:v61+s4+$0x0], $0xffff;
	[tilespmem:v63+s16+$0x0] =	vst.idx.msk $0xffff, v54;
	v54 =	vadd.s32 $0x26, v51;
	v63 =	vor.u32 s29, v33;
	_ =	sdelay $0x1  }
0x5b: {  	v52 =	vld.idx.msk [tilespmem:v52+s4+$0x0], $0xffff;
	[tilespmem:v60+s16+$0x0] =	vst.idx.msk $0xffff, v55;
	v55 =	vadd.s32 $0x27, v51;
	v60 =	vor.u32 s29, v34;
	_ =	sdelay $0x1  }
0x5c: {  	v53 =	vld.idx.msk [tilespmem:v53+s4+$0x0], $0xffff;
	[tilespmem:v62+s16+$0x0] =	vst.idx.msk $0xffff, v56;
	v56 =	vadd.s32 $0x28, v51;
	v62 =	vor.u32 s29, v35  }
0x5d: {  	v54 =	vld.idx.msk [tilespmem:v54+s4+$0x0], $0xffff;
	[tilespmem:v63+s16+$0x0] =	vst.idx.msk $0xffff, v58;
	v58 =	vadd.s32 $0x29, v51;
	v63 =	vor.u32 s29, v36;
	_ =	sdelay $0x1  }
0x5e: {  	v55 =	vld.idx.msk [tilespmem:v55+s4+$0x0], $0xffff;
	[tilespmem:v60+s16+$0x0] =	vst.idx.msk $0xffff, v59;
	v59 =	vadd.s32 $0x2A, v51;
	v60 =	vor.u32 s29, v37;
	_ =	sdelay $0x1  }
0x5f: {  	v56 =	vld.idx.msk [tilespmem:v56+s4+$0x0], $0xffff;
	[tilespmem:v62+s16+$0x0] =	vst.idx.msk $0xffff, v57;
	v57 =	vadd.s32 $0x2B, v51;
	v62 =	vor.u32 s29, v38  }
0x60: {  	v58 =	vld.idx.msk [tilespmem:v58+s4+$0x0], $0xffff;
	[tilespmem:v63+s16+$0x0] =	vst.idx.msk $0xffff, v61;
	v61 =	vadd.s32 $0x2C, v51;
	v63 =	vor.u32 s29, v39;
	_ =	sdelay $0x1  }
0x61: {  	v59 =	vld.idx.msk [tilespmem:v59+s4+$0x0], $0xffff;
	[tilespmem:v60+s16+$0x0] =	vst.idx.msk $0xffff, v52;
	v52 =	vadd.s32 $0x2D, v51;
	v60 =	vor.u32 s29, v40;
	_ =	sdelay $0x1  }
0x62: {  	v57 =	vld.idx.msk [tilespmem:v57+s4+$0x0], $0xffff;
	[tilespmem:v62+s16+$0x0] =	vst.idx.msk $0xffff, v53;
	v53 =	vadd.s32 $0x2E, v51;
	v62 =	vor.u32 s29, v41  }
0x63: {  	v61 =	vld.idx.msk [tilespmem:v61+s4+$0x0], $0xffff;
	[tilespmem:v63+s16+$0x0] =	vst.idx.msk $0xffff, v54;
	v54 =	vadd.s32 $0x2F, v51;
	v63 =	vor.u32 s29, v42;
	_ =	sdelay $0x1  }
0x64: {  	v52 =	vld.idx.msk [tilespmem:v52+s4+$0x0], $0xffff;
	[tilespmem:v60+s16+$0x0] =	vst.idx.msk $0xffff, v55;
	v55 =	vadd.s32 $0x30, v51;
	v60 =	vor.u32 s29, v43;
	_ =	sdelay $0x1  }
0x65: {  	v51 =	vadd.s32 $0x31, v51;
	v53 =	vld.idx.msk [tilespmem:v53+s4+$0x0], $0xffff;
	[tilespmem:v62+s16+$0x0] =	vst.idx.msk $0xffff, v56;
	v56 =	vor.u32 s29, v44  }
0x66: {  	v54 =	vld.idx.msk [tilespmem:v54+s4+$0x0], $0xffff;
	[tilespmem:v63+s16+$0x0] =	vst.idx.msk $0xffff, v58;
	v58 =	vor.u32 s29, v45  }
0x67: {  	v62 =	vor.u32 s29, v46  }
0x68: {  	v55 =	vld.idx.msk [tilespmem:v55+s4+$0x0], $0xffff;
	[tilespmem:v60+s16+$0x0] =	vst.idx.msk $0xffff, v59;
	v59 =	vor.u32 s29, v47  }
0x69: {  	v60 =	vor.u32 s29, v48  }
0x6a: {  	v51 =	vld.idx.msk [tilespmem:v51+s4+$0x0], $0xffff;
	[tilespmem:v56+s16+$0x0] =	vst.idx.msk $0xffff, v57;
	v56 =	vor.u32 s29, v49  }
0x6b: {  	p1 =	sne.s32 s28, $0x3F;
	v63 =	vor.u32 s29, v50;
	[tilespmem:v58+s16+$0x0] =	vst.idx.msk $0xffff, v61  }
.Ltmp2:
0x6c: {  	[tilespmem:v62+s16+$0x0] =	vst.idx.msk $0xffff, v52;
	(pc) =	sbr.rel @p1 .LBB2_3-.Ltmp2, $4  }
0x6d: {  	[tilespmem:v59+s16+$0x0] =	vst.idx.msk $0xffff, v53  }
0x6e: {  	[tilespmem:v60+s16+$0x0] =	vst.idx.msk $0xffff, v54  }
0x6f: {  	[tilespmem:v56+s16+$0x0] =	vst.idx.msk $0xffff, v55  }
0x70: {  	s26 =	sadd.s32 $0x10, s26;
	s28 =	sadd.s32 $0x1, s28;
	[tilespmem:v63+s16+$0x0] =	vst.idx.msk $0xffff, v51  }
0x71: {  	p1 =	sne.s32 s24, $0x31  }
.Ltmp3:
0x72: {  	s26 =	sshll.u32 s24, $0xD;
	(pc) =	sbr.rel @p1 .LBB2_6-.Ltmp3, $4  }
0x73: {  	s28 =	sand.u32 $0x7C000, s26;
	s26 =	sand.u32 $0x2000, s26  }
0x74: {  	s26 =	sor.u32 s5, s26;
	s28 =	sadd.s32 s3, s28  }
0x75: {  	s26 =	sadd.s32 s26, s28  }
0x76: {  	[hbm4b:s26+s17] =	stream.strided.scatter [tilespmem:s16], [sflag:$0x3], $0xC800, s18, s17, $0x38;
	[tilespmem:$0x1AC00] =	vst v63  }
.Ltmp4:
0x77: {  	(pc) =	sbr.rel .LBB2_7-.Ltmp4, $4  }
0x78: {  	_ = 	snop  }
0x79: {  	_ =	swait.ge [sflag:s19], $0x400  }
0x7a: {  	[sflag:s19] =	ssyncset.done $0x0  }
0x7b: {  	[sflag:s19] =	ssyncadd.s32 $0xFFFFFC00  }
.LBB2_6:
0x7c: {  	s28 =	sadd.s32 s9, s25  }
0x7d: {  	s28 =	sshll.u32 s28, $0x7  }
.Ltmp5:
0x7e: {  	s28 =	sadd.s32 s0, s28;
	(pc) =	sbr.rel @p0 .LBB2_8-.Ltmp5, $4  }
0x7f: {  	[tilespmem:s13], [sflag:$0x1] =	stream.linear.gather [hbm4b:s28+s4], $0x400, $0x38;
	[tilespmem:$0x1AC00] =	vst v63  }
0x80: {  	_ =	swait.ge [sflag:s19], $0x400  }
0x81: {  	[sflag:s19] =	ssyncset.done $0x0  }
0x82: {  	[sflag:s19] =	ssyncadd.s32 $0xFFFFFC00  }
.LBB2_7:
0x83: {  	_ =	swait.ge [sflag:s20], $0xC800  }
0x84: {  	[sflag:s20] =	ssyncset.done $0x0  }
0x85: {  	[sflag:s20] =	ssyncadd.s32 $0xFFFF3800  }
.LBB2_8:
0x86: {  	s28 =	simm.s32 $0x0;
	s29 =	simm.s32 $0x0  }
.LBB2_9:
0x87: {  	s30 =	sshll.u32 s29, $0x4  }
0x88: {  	s31 =	sand.u32 $0x70, s28;
	s30 =	sand.u32 $0xFFFFFF80, s30  }
0x89: {  	s30 =	sor.u32 s31, s30  }
0x8a: {  	v52 =	vor.u32 s30, v0;
	_ =	sdelay $0x4  }
0x8b: {  	v51 =	vld.idx.msk [tilespmem:v52+s14+$0x0], $0xffff;
	_ =	sdelay $0x4  }
0x8c: {  	v51 =	vmul.u32 $0x32, v51;
	_ =	sdelay $0x1  }
0x8d: {  	v53 =	vor.u32 $0x1, v51  }
0x8e: {  	v54 =	vadd.s32 $0x2, v51  }
0x8f: {  	v55 =	vadd.s32 $0x3, v51  }
0x90: {  	v56 =	vadd.s32 $0x4, v51  }
0x91: {  	v58 =	vadd.s32 $0x5, v51;
	v57 =	vld.idx.msk [tilespmem:v51+s4+$0x0], $0xffff  }
0x92: {  	v59 =	vadd.s32 $0x6, v51;
	v53 =	vld.idx.msk [tilespmem:v53+s4+$0x0], $0xffff  }
0x93: {  	v60 =	vadd.s32 $0x7, v51;
	v54 =	vld.idx.msk [tilespmem:v54+s4+$0x0], $0xffff  }
0x94: {  	v61 =	vor.u32 s30, v2;
	v55 =	vld.idx.msk [tilespmem:v55+s4+$0x0], $0xffff  }
0x95: {  	v62 =	vadd.s32 $0x8, v51;
	v56 =	vld.idx.msk [tilespmem:v56+s4+$0x0], $0xffff  }
0x96: {  	v63 =	vor.u32 s30, v3;
	v58 =	vld.idx.msk [tilespmem:v58+s4+$0x0], $0xffff  }
0x97: {  	v59 =	vld.idx.msk [tilespmem:v59+s4+$0x0], $0xffff;
	[tilespmem:v52+s21+$0x0] =	vst.idx.msk $0xffff, v57  }
0x98: {  	v52 =	vadd.s32 $0x9, v51;
	v57 =	vld.idx.msk [tilespmem:v60+s4+$0x0], $0xffff;
	v60 =	vor.u32 s30, v4  }
0x99: {  	[tilespmem:v61+s21+$0x0] =	vst.idx.msk $0xffff, v53  }
0x9a: {  	v53 =	vadd.s32 $0xA, v51;
	v61 =	vld.idx.msk [tilespmem:v62+s4+$0x0], $0xffff;
	v62 =	vor.u32 s30, v5  }
0x9b: {  	[tilespmem:v63+s21+$0x0] =	vst.idx.msk $0xffff, v54;
	v54 =	vadd.s32 $0xB, v51;
	v63 =	vor.u32 s30, v6;
	_ =	sdelay $0x1  }
0x9c: {  	v52 =	vld.idx.msk [tilespmem:v52+s4+$0x0], $0xffff;
	[tilespmem:v60+s21+$0x0] =	vst.idx.msk $0xffff, v55;
	v55 =	vadd.s32 $0xC, v51;
	v60 =	vor.u32 s30, v7;
	_ =	sdelay $0x1  }
0x9d: {  	v53 =	vld.idx.msk [tilespmem:v53+s4+$0x0], $0xffff;
	[tilespmem:v62+s21+$0x0] =	vst.idx.msk $0xffff, v56;
	v56 =	vadd.s32 $0xD, v51;
	v62 =	vor.u32 s30, v8  }
0x9e: {  	v54 =	vld.idx.msk [tilespmem:v54+s4+$0x0], $0xffff;
	[tilespmem:v63+s21+$0x0] =	vst.idx.msk $0xffff, v58;
	v58 =	vadd.s32 $0xE, v51;
	v63 =	vor.u32 s30, v9;
	_ =	sdelay $0x1  }
0x9f: {  	v55 =	vld.idx.msk [tilespmem:v55+s4+$0x0], $0xffff;
	[tilespmem:v60+s21+$0x0] =	vst.idx.msk $0xffff, v59;
	v59 =	vadd.s32 $0xF, v51;
	v60 =	vor.u32 s30, v10;
	_ =	sdelay $0x1  }
0xa0: {  	v56 =	vld.idx.msk [tilespmem:v56+s4+$0x0], $0xffff;
	[tilespmem:v62+s21+$0x0] =	vst.idx.msk $0xffff, v57;
	v57 =	vadd.s32 $0x10, v51;
	v62 =	vor.u32 s30, v11  }
0xa1: {  	v58 =	vld.idx.msk [tilespmem:v58+s4+$0x0], $0xffff;
	[tilespmem:v63+s21+$0x0] =	vst.idx.msk $0xffff, v61;
	v61 =	vadd.s32 $0x11, v51;
	v63 =	vor.u32 s30, v12;
	_ =	sdelay $0x1  }
0xa2: {  	v59 =	vld.idx.msk [tilespmem:v59+s4+$0x0], $0xffff;
	[tilespmem:v60+s21+$0x0] =	vst.idx.msk $0xffff, v52;
	v52 =	vadd.s32 $0x12, v51;
	v60 =	vor.u32 s30, v13;
	_ =	sdelay $0x1  }
0xa3: {  	v57 =	vld.idx.msk [tilespmem:v57+s4+$0x0], $0xffff;
	[tilespmem:v62+s21+$0x0] =	vst.idx.msk $0xffff, v53;
	v53 =	vadd.s32 $0x13, v51;
	v62 =	vor.u32 s30, v14  }
0xa4: {  	v61 =	vld.idx.msk [tilespmem:v61+s4+$0x0], $0xffff;
	[tilespmem:v63+s21+$0x0] =	vst.idx.msk $0xffff, v54;
	v54 =	vadd.s32 $0x14, v51;
	v63 =	vor.u32 s30, v15;
	_ =	sdelay $0x1  }
0xa5: {  	v52 =	vld.idx.msk [tilespmem:v52+s4+$0x0], $0xffff;
	[tilespmem:v60+s21+$0x0] =	vst.idx.msk $0xffff, v55;
	v55 =	vadd.s32 $0x15, v51;
	v60 =	vor.u32 s30, v16;
	_ =	sdelay $0x1  }
0xa6: {  	v53 =	vld.idx.msk [tilespmem:v53+s4+$0x0], $0xffff;
	[tilespmem:v62+s21+$0x0] =	vst.idx.msk $0xffff, v56;
	v56 =	vadd.s32 $0x16, v51;
	v62 =	vor.u32 s30, v17  }
0xa7: {  	v54 =	vld.idx.msk [tilespmem:v54+s4+$0x0], $0xffff;
	[tilespmem:v63+s21+$0x0] =	vst.idx.msk $0xffff, v58;
	v58 =	vadd.s32 $0x17, v51;
	v63 =	vor.u32 s30, v18;
	_ =	sdelay $0x1  }
0xa8: {  	v55 =	vld.idx.msk [tilespmem:v55+s4+$0x0], $0xffff;
	[tilespmem:v60+s21+$0x0] =	vst.idx.msk $0xffff, v59;
	v59 =	vadd.s32 $0x18, v51;
	v60 =	vor.u32 s30, v19;
	_ =	sdelay $0x1  }
0xa9: {  	v56 =	vld.idx.msk [tilespmem:v56+s4+$0x0], $0xffff;
	[tilespmem:v62+s21+$0x0] =	vst.idx.msk $0xffff, v57;
	v57 =	vadd.s32 $0x19, v51;
	v62 =	vor.u32 s30, v20  }
0xaa: {  	v58 =	vld.idx.msk [tilespmem:v58+s4+$0x0], $0xffff;
	[tilespmem:v63+s21+$0x0] =	vst.idx.msk $0xffff, v61;
	v61 =	vadd.s32 $0x1A, v51;
	v63 =	vor.u32 s30, v21;
	_ =	sdelay $0x1  }
0xab: {  	v59 =	vld.idx.msk [tilespmem:v59+s4+$0x0], $0xffff;
	[tilespmem:v60+s21+$0x0] =	vst.idx.msk $0xffff, v52;
	v52 =	vadd.s32 $0x1B, v51;
	v60 =	vor.u32 s30, v22;
	_ =	sdelay $0x1  }
0xac: {  	v57 =	vld.idx.msk [tilespmem:v57+s4+$0x0], $0xffff;
	[tilespmem:v62+s21+$0x0] =	vst.idx.msk $0xffff, v53;
	v53 =	vadd.s32 $0x1C, v51;
	v62 =	vor.u32 s30, v23  }
0xad: {  	v61 =	vld.idx.msk [tilespmem:v61+s4+$0x0], $0xffff;
	[tilespmem:v63+s21+$0x0] =	vst.idx.msk $0xffff, v54;
	v54 =	vadd.s32 $0x1D, v51;
	v63 =	vor.u32 s30, v24;
	_ =	sdelay $0x1  }
0xae: {  	v52 =	vld.idx.msk [tilespmem:v52+s4+$0x0], $0xffff;
	[tilespmem:v60+s21+$0x0] =	vst.idx.msk $0xffff, v55;
	v55 =	vadd.s32 $0x1E, v51;
	v60 =	vor.u32 s30, v25;
	_ =	sdelay $0x1  }
0xaf: {  	v53 =	vld.idx.msk [tilespmem:v53+s4+$0x0], $0xffff;
	[tilespmem:v62+s21+$0x0] =	vst.idx.msk $0xffff, v56;
	v56 =	vadd.s32 $0x1F, v51;
	v62 =	vor.u32 s30, v26  }
0xb0: {  	v54 =	vld.idx.msk [tilespmem:v54+s4+$0x0], $0xffff;
	[tilespmem:v63+s21+$0x0] =	vst.idx.msk $0xffff, v58;
	v58 =	vadd.s32 $0x20, v51;
	v63 =	vor.u32 s30, v27;
	_ =	sdelay $0x1  }
0xb1: {  	v55 =	vld.idx.msk [tilespmem:v55+s4+$0x0], $0xffff;
	[tilespmem:v60+s21+$0x0] =	vst.idx.msk $0xffff, v59;
	v59 =	vadd.s32 $0x21, v51;
	v60 =	vor.u32 s30, v28;
	_ =	sdelay $0x1  }
0xb2: {  	v56 =	vld.idx.msk [tilespmem:v56+s4+$0x0], $0xffff;
	[tilespmem:v62+s21+$0x0] =	vst.idx.msk $0xffff, v57;
	v57 =	vadd.s32 $0x22, v51;
	v62 =	vor.u32 s30, v29  }
0xb3: {  	v58 =	vld.idx.msk [tilespmem:v58+s4+$0x0], $0xffff;
	[tilespmem:v63+s21+$0x0] =	vst.idx.msk $0xffff, v61;
	v61 =	vadd.s32 $0x23, v51;
	v63 =	vor.u32 s30, v30;
	_ =	sdelay $0x1  }
0xb4: {  	v59 =	vld.idx.msk [tilespmem:v59+s4+$0x0], $0xffff;
	[tilespmem:v60+s21+$0x0] =	vst.idx.msk $0xffff, v52;
	v52 =	vadd.s32 $0x24, v51;
	v60 =	vor.u32 s30, v31;
	_ =	sdelay $0x1  }
0xb5: {  	v57 =	vld.idx.msk [tilespmem:v57+s4+$0x0], $0xffff;
	[tilespmem:v62+s21+$0x0] =	vst.idx.msk $0xffff, v53;
	v53 =	vadd.s32 $0x25, v51;
	v62 =	vor.u32 s30, v32  }
0xb6: {  	v61 =	vld.idx.msk [tilespmem:v61+s4+$0x0], $0xffff;
	[tilespmem:v63+s21+$0x0] =	vst.idx.msk $0xffff, v54;
	v54 =	vadd.s32 $0x26, v51;
	v63 =	vor.u32 s30, v33;
	_ =	sdelay $0x1  }
0xb7: {  	v52 =	vld.idx.msk [tilespmem:v52+s4+$0x0], $0xffff;
	[tilespmem:v60+s21+$0x0] =	vst.idx.msk $0xffff, v55;
	v55 =	vadd.s32 $0x27, v51;
	v60 =	vor.u32 s30, v34;
	_ =	sdelay $0x1  }
0xb8: {  	v53 =	vld.idx.msk [tilespmem:v53+s4+$0x0], $0xffff;
	[tilespmem:v62+s21+$0x0] =	vst.idx.msk $0xffff, v56;
	v56 =	vadd.s32 $0x28, v51;
	v62 =	vor.u32 s30, v35  }
0xb9: {  	v54 =	vld.idx.msk [tilespmem:v54+s4+$0x0], $0xffff;
	[tilespmem:v63+s21+$0x0] =	vst.idx.msk $0xffff, v58;
	v58 =	vadd.s32 $0x29, v51;
	v63 =	vor.u32 s30, v36;
	_ =	sdelay $0x1  }
0xba: {  	v55 =	vld.idx.msk [tilespmem:v55+s4+$0x0], $0xffff;
	[tilespmem:v60+s21+$0x0] =	vst.idx.msk $0xffff, v59;
	v59 =	vadd.s32 $0x2A, v51;
	v60 =	vor.u32 s30, v37;
	_ =	sdelay $0x1  }
0xbb: {  	v56 =	vld.idx.msk [tilespmem:v56+s4+$0x0], $0xffff;
	[tilespmem:v62+s21+$0x0] =	vst.idx.msk $0xffff, v57;
	v57 =	vadd.s32 $0x2B, v51;
	v62 =	vor.u32 s30, v38  }
0xbc: {  	v58 =	vld.idx.msk [tilespmem:v58+s4+$0x0], $0xffff;
	[tilespmem:v63+s21+$0x0] =	vst.idx.msk $0xffff, v61;
	v61 =	vadd.s32 $0x2C, v51;
	v63 =	vor.u32 s30, v39;
	_ =	sdelay $0x1  }
0xbd: {  	v59 =	vld.idx.msk [tilespmem:v59+s4+$0x0], $0xffff;
	[tilespmem:v60+s21+$0x0] =	vst.idx.msk $0xffff, v52;
	v52 =	vadd.s32 $0x2D, v51;
	v60 =	vor.u32 s30, v40;
	_ =	sdelay $0x1  }
0xbe: {  	v57 =	vld.idx.msk [tilespmem:v57+s4+$0x0], $0xffff;
	[tilespmem:v62+s21+$0x0] =	vst.idx.msk $0xffff, v53;
	v53 =	vadd.s32 $0x2E, v51;
	v62 =	vor.u32 s30, v41  }
0xbf: {  	v61 =	vld.idx.msk [tilespmem:v61+s4+$0x0], $0xffff;
	[tilespmem:v63+s21+$0x0] =	vst.idx.msk $0xffff, v54;
	v54 =	vadd.s32 $0x2F, v51;
	v63 =	vor.u32 s30, v42;
	_ =	sdelay $0x1  }
0xc0: {  	v52 =	vld.idx.msk [tilespmem:v52+s4+$0x0], $0xffff;
	[tilespmem:v60+s21+$0x0] =	vst.idx.msk $0xffff, v55;
	v55 =	vadd.s32 $0x30, v51;
	v60 =	vor.u32 s30, v43;
	_ =	sdelay $0x1  }
0xc1: {  	v51 =	vadd.s32 $0x31, v51;
	v53 =	vld.idx.msk [tilespmem:v53+s4+$0x0], $0xffff;
	[tilespmem:v62+s21+$0x0] =	vst.idx.msk $0xffff, v56;
	v56 =	vor.u32 s30, v44  }
0xc2: {  	v54 =	vld.idx.msk [tilespmem:v54+s4+$0x0], $0xffff;
	[tilespmem:v63+s21+$0x0] =	vst.idx.msk $0xffff, v58;
	v58 =	vor.u32 s30, v45  }
0xc3: {  	v62 =	vor.u32 s30, v46  }
0xc4: {  	v55 =	vld.idx.msk [tilespmem:v55+s4+$0x0], $0xffff;
	[tilespmem:v60+s21+$0x0] =	vst.idx.msk $0xffff, v59;
	v59 =	vor.u32 s30, v47  }
0xc5: {  	v60 =	vor.u32 s30, v48  }
0xc6: {  	v51 =	vld.idx.msk [tilespmem:v51+s4+$0x0], $0xffff;
	[tilespmem:v56+s21+$0x0] =	vst.idx.msk $0xffff, v57;
	v56 =	vor.u32 s30, v49  }
0xc7: {  	p0 =	sne.s32 s29, $0x3F;
	v63 =	vor.u32 s30, v50;
	[tilespmem:v58+s21+$0x0] =	vst.idx.msk $0xffff, v61  }
.Ltmp6:
0xc8: {  	[tilespmem:v62+s21+$0x0] =	vst.idx.msk $0xffff, v52;
	(pc) =	sbr.rel @p0 .LBB2_9-.Ltmp6, $4  }
0xc9: {  	[tilespmem:v59+s21+$0x0] =	vst.idx.msk $0xffff, v53  }
0xca: {  	[tilespmem:v60+s21+$0x0] =	vst.idx.msk $0xffff, v54  }
0xcb: {  	[tilespmem:v56+s21+$0x0] =	vst.idx.msk $0xffff, v55  }
0xcc: {  	s28 =	sadd.s32 $0x10, s28;
	s29 =	sadd.s32 $0x1, s29;
	[tilespmem:v63+s21+$0x0] =	vst.idx.msk $0xffff, v51  }
0xcd: {  	p0 =	seq.s32 s24, $0x31  }
.Ltmp7:
0xce: {  	_ = 	snop;
	(pc) =	sbr.rel @p0 .LBB2_12-.Ltmp7, $3  }
0xcf: {  	_ =	sdelay $0x1  }
0xd0: {  	s26 =	sadd.s32 $0x1000, s26  }
0xd1: {  	[hbm4b:s26+s17] =	stream.strided.scatter [tilespmem:s21], [sflag:$0x4], $0xC800, s18, s17, $0x38;
	[tilespmem:$0x1AC00] =	vst v63  }
.Ltmp8:
0xd2: {  	(pc) =	sbr.rel .LBB2_2-.Ltmp8, $4  }
0xd3: {  	s25 =	sadd.s32 s10, s25  }
0xd4: {  	s25 =	sshll.u32 s25, $0x7  }
0xd5: {  	s24 =	sadd.s32 $0x1, s24;
	s25 =	sadd.s32 s0, s25  }
0xd6: {  	[tilespmem:s14], [sflag:$0x2] =	stream.linear.gather [hbm4b:s25+s4], $0x400, $0x38;
	[tilespmem:$0x1AC00] =	vst v63  }
.LBB2_13:
0xd7: {  	_ =	sfence.sel $0x180000  }
0xd8: {  	[bflag:$0x0] =	sbarrier.arrive $0xFFFF  }
0xd9: {  	p0 =	sne.s32 s1, $0x0;
	_ =	strace $0x90000047  }
0xda: {  	s0 =	sadd.s32 @!p0 $0x100000, s2;
	[bflag:$0x2] =	sbarrier.arrive $0xFFFF  }
0xdb: {  	[sflag:s0] =	ssyncadd.tile.s32 @!p0 $0x1;
	_ =	shalt  }
.Lfunc_end2:
_tile_overlayer_lowered:
.L_overlay_start_2:
0xdc: {  	(tag) =	ssettag $0x2  }
0xdd: {  	s0 =	rddreg [dreg:$0x0];
	s2 =	stileid.u32  }
0xde: {  	s1 =	rddreg [dreg:$0x1];
	p0 =	sne.s32 s2, $0x0  }
0xdf: {  	s3 =	rddreg [dreg:$0x2];
	[bflag:$0x3] =	sbarrier.arrive $0xFFFF;
	s2 =	simm.s32 @!p0 $0x1C05  }
0xe0: {  	[timem:s3], [sflag:s2] =	dma.local @!p0 [hbm:s0], s1  }
0xe1: {  	s0 =	simm.s32 @!p0 $0x5  }
0xe2: {  	_ =	swait.ge @!p0 [sflag:s0], s1  }
0xe3: {  	s1 =	ssub.s32 @!p0 $0x0, s1;
	[sflag:s0] =	ssyncset.done @!p0 $0x0  }
0xe4: {  	[sflag:s0] =	ssyncadd.s32 @!p0 s1  }
0xe5: {  	[bflag:$0x3] =	sbarrier.arrive $0xFFFF  }
0xe6: {  	_ =	shalt  }

</sc_bundles>
